<compile_context>
chip_gen: v7x
topology: tpu7x:2x2x1
jax: 0.10.2.dev20260603
libtpu: 0.0.44.dev20260713+nightly
codegen_flags: <defaults>
</compile_context>

<pallas_src>
import functools

import jax
import jax.numpy as jnp
from jax import lax
from jax.experimental import pallas as pl
from jax.experimental.pallas import tpu as pltpu
from jax.experimental.pallas import tpu_sc as plsc

BATCH = 16384
NFIELDS = 26
FA = 16
FB = NFIELDS - FA
ROWS_A = 16_000_000
OFF_B = 15_999_616
ROWS_B = 26_000_000 - OFF_B
NC = 2
NS = 16
NW = NC * NS
BPW = BATCH // NW
EPA = FA * BPW
EPB = FB * BPW
JCH = BPW // 16

_mesh = plsc.VectorSubcoreMesh(core_axis_name="c", subcore_axis_name="s")


def _make_kernel1():
    @functools.partial(
        pl.kernel,
        mesh=_mesh,
        out_type=(
            jax.ShapeDtypeStruct((BATCH,), jnp.float32),
            jax.ShapeDtypeStruct((NW, EPB), jnp.int32),
        ),
        scratch_types=[
            pltpu.VMEM((NFIELDS, BPW), jnp.int32),
            pltpu.VMEM((EPA,), jnp.int32),
            pltpu.VMEM((EPB,), jnp.int32),
            pltpu.VMEM((NFIELDS * 16,), jnp.int32),
            pltpu.VMEM((EPA,), jnp.float32),
            pltpu.VMEM((16,), jnp.float32),
            pltpu.VMEM((BPW,), jnp.float32),
            pltpu.SemaphoreType.DMA,
        ],
    )
    def k1(xt_hbm, offs_hbm, tabA_hbm, bias_hbm, part_hbm, idx2_hbm,
           x_v, idxa_v, idxb_v, off_v, val_v, bias_v, out_v, sem):
        wid = lax.axis_index("s") * NC + lax.axis_index("c")
        with jax.named_scope("dma_in"):
            cp_x = pltpu.async_copy(
                xt_hbm.at[:, pl.ds(wid * BPW, BPW)], x_v, sem)
            cp_o = pltpu.async_copy(offs_hbm, off_v, sem)
            cp_b = pltpu.async_copy(bias_hbm, bias_v, sem)
            cp_x.wait()
            cp_o.wait()
            cp_b.wait()

        offv = [off_v[pl.ds(f * 16, 16)] for f in range(NFIELDS)]
        half = jnp.full((16,), OFF_B, jnp.int32)

        with jax.named_scope("add_loop"):
            def add_body(j, carry):
                c = j * 16
                for f in range(FA):
                    idxa_v[pl.ds(f * BPW + c, 16)] = (
                        x_v[f, pl.ds(c, 16)] + offv[f])
                for f in range(FA, NFIELDS):
                    idxb_v[pl.ds((f - FA) * BPW + c, 16)] = (
                        x_v[f, pl.ds(c, 16)] + (offv[f] - half))
                return carry
            lax.fori_loop(0, JCH, add_body, 0)

        with jax.named_scope("gather"):
            cp_i = pltpu.async_copy(idxb_v, idx2_hbm.at[wid], sem)
            pltpu.async_copy(tabA_hbm.at[idxa_v], val_v, sem).wait()
            cp_i.wait()

        bvec = bias_v[...]

        with jax.named_scope("reduce"):
            def red_body(j, carry):
                c = j * 16
                acc = bvec
                for f in range(FA):
                    acc = acc + val_v[pl.ds(f * BPW + c, 16)]
                out_v[pl.ds(c, 16)] = acc
                return carry
            lax.fori_loop(0, JCH, red_body, 0)

        with jax.named_scope("dma_out"):
            pltpu.sync_copy(out_v, part_hbm.at[pl.ds(wid * BPW, BPW)])

    return k1


def _make_kernel2():
    @functools.partial(
        pl.kernel,
        mesh=_mesh,
        out_type=jax.ShapeDtypeStruct((BATCH,), jnp.float32),
        scratch_types=[
            pltpu.VMEM((EPB,), jnp.int32),
            pltpu.VMEM((EPB,), jnp.float32),
            pltpu.VMEM((BPW,), jnp.float32),
            pltpu.VMEM((BPW,), jnp.float32),
            pltpu.SemaphoreType.DMA,
        ],
    )
    def k2(idx2_hbm, tabB_hbm, part_hbm, out_hbm,
           idx_v, val_v, part_v, out_v, sem):
        wid = lax.axis_index("s") * NC + lax.axis_index("c")
        with jax.named_scope("dma_in2"):
            cp_i = pltpu.async_copy(idx2_hbm.at[wid], idx_v, sem)
            cp_p = pltpu.async_copy(
                part_hbm.at[pl.ds(wid * BPW, BPW)], part_v, sem)
            cp_i.wait()

        with jax.named_scope("gather2"):
            pltpu.async_copy(tabB_hbm.at[idx_v], val_v, sem).wait()
            cp_p.wait()

        with jax.named_scope("reduce2"):
            def red_body(j, carry):
                c = j * 16
                acc = part_v[pl.ds(c, 16)]
                for f in range(FB):
                    acc = acc + val_v[pl.ds(f * BPW + c, 16)]
                out_v[pl.ds(c, 16)] = acc
                return carry
            lax.fori_loop(0, JCH, red_body, 0)

        with jax.named_scope("dma_out2"):
            pltpu.sync_copy(out_v, out_hbm.at[pl.ds(wid * BPW, BPW)])

    return k2


_gather_sum_1 = _make_kernel1()
_gather_sum_2 = _make_kernel2()


def kernel(x, offsets, table, bias):
    xt = x.T
    offs = jnp.repeat(offsets, 16)
    tabA = lax.slice(table, (0, 0), (ROWS_A, 1)).reshape(ROWS_A)
    tabA, table2 = lax.optimization_barrier((tabA, table))
    tabB = lax.slice(table2, (OFF_B, 0), (26_000_000, 1)).reshape(ROWS_B)
    bias16 = jnp.broadcast_to(bias.astype(jnp.float32), (16,))
    partial, idx2 = _gather_sum_1(xt, offs, tabA, bias16)
    out = _gather_sum_2(idx2, tabB, partial)
    return out.reshape(BATCH, 1)

# --- scband reference (transcript-rebuilt; emitter-appended) ---
"""Pipeline reference for scband-wide-model-59734405152789 (READ-ONLY COPY).

The authoritative reference and input builder live on the scoring server;
editing this copy changes nothing except your own understanding.
"""

import jax, jax.numpy as jnp
import numpy as np

FEATURE_DIMS = [1000000] * 26
TOTAL = sum(FEATURE_DIMS)  # 26,000,000
BATCH = 16384
NFIELDS = 26


def setup_inputs(seed: int = 0) -> dict:
    key = jax.random.key(seed)
    k1, k2 = jax.random.split(key, 2)
    # per-field indices, each in [0, field_dim)
    x = jax.random.randint(k1, (BATCH, NFIELDS), 0, FEATURE_DIMS[0], dtype=jnp.int32)
    # offsets buffer: (0, cumsum(feature_dims)[:-1])
    cs = np.cumsum(np.array(FEATURE_DIMS, dtype=np.int64))
    offsets = jnp.asarray(np.concatenate([[0], cs[:-1]]).astype(np.int32))
    # embedding table [TOTAL, 1], xavier_uniform init
    bound = float(np.sqrt(6.0 / (TOTAL + 1)))
    table = jax.random.uniform(k2, (TOTAL, 1), minval=-bound, maxval=bound, dtype=jnp.float32)
    bias = jnp.zeros((1,), dtype=jnp.float32)
    return {"x": x, "offsets": offsets, "table": table, "bias": bias}


def reference(x, offsets, table, bias):
    # x = x + offsets.unsqueeze(0)
    idx = x + offsets[None, :]
    # embeddings(x).sum(dim=1) + bias
    emb = jnp.take(table, idx, axis=0)      # [B, F, 1]
    out = emb.sum(axis=1) + bias            # [B, 1]
    return out

if __name__ == "__main__":
    import jax
    _d = setup_inputs()
    print(jax.jit(kernel)(*tuple(_d.values())))

</pallas_src>

<mosaic_0001>
#map = affine_map<(d0, d1) -> (0, 0)>
#map1 = affine_map<(d0, d1) -> (0)>
module attributes {stable_mosaic.version = 14 : i64} {
  func.func @k1(%arg0: i32, %arg1: i32, %arg2: memref<26x16384xi32, #tpu.memory_space<hbm>>, %arg3: memref<416xi32, #tpu.memory_space<hbm>>, %arg4: memref<16000000xf32, #tpu.memory_space<hbm>>, %arg5: memref<16xf32, #tpu.memory_space<hbm>>, %arg6: memref<16384xf32, #tpu.memory_space<hbm>>, %arg7: memref<32x5120xi32, #tpu.memory_space<hbm>>, %arg8: memref<26x512xi32, #tpu.memory_space<vmem>>, %arg9: memref<8192xi32, #tpu.memory_space<vmem>>, %arg10: memref<5120xi32, #tpu.memory_space<vmem>>, %arg11: memref<416xi32, #tpu.memory_space<vmem>>, %arg12: memref<8192xf32, #tpu.memory_space<vmem>>, %arg13: memref<16xf32, #tpu.memory_space<vmem>>, %arg14: memref<512xf32, #tpu.memory_space<vmem>>, %arg15: memref<!tpu.dma_semaphore, #tpu.memory_space<semaphore_mem>>) attributes {dimension_semantics = [#tpu.dimension_semantics<core_parallel>, #tpu.dimension_semantics<subcore_parallel>], iteration_bounds = array<i64: 2, 16>, scalar_prefetch = 0 : i64, scratch_operands = 8 : i64, tpu.core_type = #tpu.core_type<sc_vector_subcore>, window_params = [{transform_indices = #map}, {transform_indices = #map1}, {transform_indices = #map1}, {transform_indices = #map1}, {transform_indices = #map1}, {transform_indices = #map}]} {
    %mul3A = arith.constant 2 : i32
    %mul3A_0 = arith.muli %arg1, %mul3A : i32
    %add3A = arith.addi %mul3A_0, %arg0 : i32
    "tpu.trace_start"() <{level = 10 : i32, message = "dma_in"}> : () -> ()
    %mul3A_1 = arith.constant 512 : i32
    %mul3A_2 = arith.muli %add3A, %mul3A_1 : i32
    %dma_start3A = arith.constant 0 : i32
    %dma_start3A_3 = tpu.memref_slice %arg2[%dma_start3A, %mul3A_2] : memref<26x16384xi32, #tpu.memory_space<hbm>> -> memref<26x512xi32, #tpu.memory_space<hbm>>
    %dma_start3A_4 = arith.constant 0 : i32
    %dma_start3A_5 = tpu.memref_slice %arg2[%dma_start3A_4, %mul3A_2] : memref<26x16384xi32, #tpu.memory_space<hbm>> -> memref<26x512xi32, #tpu.memory_space<hbm>>
    tpu.enqueue_dma source(%dma_start3A_5 : memref<26x512xi32, #tpu.memory_space<hbm>>) target(%arg8 : memref<26x512xi32, #tpu.memory_space<vmem>>) target_semaphore(%arg15 : memref<!tpu.dma_semaphore, #tpu.memory_space<semaphore_mem>>)
    tpu.enqueue_dma source(%arg3 : memref<416xi32, #tpu.memory_space<hbm>>) target(%arg11 : memref<416xi32, #tpu.memory_space<vmem>>) target_semaphore(%arg15 : memref<!tpu.dma_semaphore, #tpu.memory_space<semaphore_mem>>)
    tpu.enqueue_dma source(%arg5 : memref<16xf32, #tpu.memory_space<hbm>>) target(%arg13 : memref<16xf32, #tpu.memory_space<vmem>>) target_semaphore(%arg15 : memref<!tpu.dma_semaphore, #tpu.memory_space<semaphore_mem>>)
    %dma_wait3A = arith.constant 0 : i32
    %dma_wait3A_6 = tpu.memref_slice %arg2[%dma_wait3A, %mul3A_2] : memref<26x16384xi32, #tpu.memory_space<hbm>> -> memref<26x512xi32, #tpu.memory_space<hbm>>
    %dma_wait3A_7 = arith.constant 0 : i32
    %dma_wait3A_8 = tpu.memref_slice %arg2[%dma_wait3A_7, %mul3A_2] : memref<26x16384xi32, #tpu.memory_space<hbm>> -> memref<26x512xi32, #tpu.memory_space<hbm>>
    tpu.wait_dma2 semaphore(%arg15 : memref<!tpu.dma_semaphore, #tpu.memory_space<semaphore_mem>>) src(%dma_wait3A_8 : memref<26x512xi32, #tpu.memory_space<hbm>>) dst(%arg8 : memref<26x512xi32, #tpu.memory_space<vmem>>)
    tpu.wait_dma2 semaphore(%arg15 : memref<!tpu.dma_semaphore, #tpu.memory_space<semaphore_mem>>) src(%arg3 : memref<416xi32, #tpu.memory_space<hbm>>) dst(%arg11 : memref<416xi32, #tpu.memory_space<vmem>>)
    tpu.wait_dma2 semaphore(%arg15 : memref<!tpu.dma_semaphore, #tpu.memory_space<semaphore_mem>>) src(%arg5 : memref<16xf32, #tpu.memory_space<hbm>>) dst(%arg13 : memref<16xf32, #tpu.memory_space<vmem>>)
    "tpu.trace_stop"() : () -> ()
    %get3A = arith.constant 0 : index
    %get3A_9 = tpu.vector_load %arg11[%get3A] {strides = array<i32>} : memref<416xi32, #tpu.memory_space<vmem>>, vector<16xi32>,
    %get3A_10 = vector.shape_cast %get3A_9 : vector<16xi32> to vector<16xi32>
    %get3A_11 = arith.constant 16 : index
    %get3A_12 = tpu.vector_load %arg11[%get3A_11] {strides = array<i32>} : memref<416xi32, #tpu.memory_space<vmem>>, vector<16xi32>,
    %get3A_13 = vector.shape_cast %get3A_12 : vector<16xi32> to vector<16xi32>
    %get3A_14 = arith.constant 32 : index
    %get3A_15 = tpu.vector_load %arg11[%get3A_14] {strides = array<i32>} : memref<416xi32, #tpu.memory_space<vmem>>, vector<16xi32>,
    %get3A_16 = vector.shape_cast %get3A_15 : vector<16xi32> to vector<16xi32>
    %get3A_17 = arith.constant 48 : index
    %get3A_18 = tpu.vector_load %arg11[%get3A_17] {strides = array<i32>} : memref<416xi32, #tpu.memory_space<vmem>>, vector<16xi32>,
    %get3A_19 = vector.shape_cast %get3A_18 : vector<16xi32> to vector<16xi32>
    %get3A_20 = arith.constant 64 : index
    %get3A_21 = tpu.vector_load %arg11[%get3A_20] {strides = array<i32>} : memref<416xi32, #tpu.memory_space<vmem>>, vector<16xi32>,
    %get3A_22 = vector.shape_cast %get3A_21 : vector<16xi32> to vector<16xi32>
    %get3A_23 = arith.constant 80 : index
    %get3A_24 = tpu.vector_load %arg11[%get3A_23] {strides = array<i32>} : memref<416xi32, #tpu.memory_space<vmem>>, vector<16xi32>,
    %get3A_25 = vector.shape_cast %get3A_24 : vector<16xi32> to vector<16xi32>
    %get3A_26 = arith.constant 96 : index
    %get3A_27 = tpu.vector_load %arg11[%get3A_26] {strides = array<i32>} : memref<416xi32, #tpu.memory_space<vmem>>, vector<16xi32>,
    %get3A_28 = vector.shape_cast %get3A_27 : vector<16xi32> to vector<16xi32>
    %get3A_29 = arith.constant 112 : index
    %get3A_30 = tpu.vector_load %arg11[%get3A_29] {strides = array<i32>} : memref<416xi32, #tpu.memory_space<vmem>>, vector<16xi32>,
    %get3A_31 = vector.shape_cast %get3A_30 : vector<16xi32> to vector<16xi32>
    %get3A_32 = arith.constant 128 : index
    %get3A_33 = tpu.vector_load %arg11[%get3A_32] {strides = array<i32>} : memref<416xi32, #tpu.memory_space<vmem>>, vector<16xi32>,
    %get3A_34 = vector.shape_cast %get3A_33 : vector<16xi32> to vector<16xi32>
    %get3A_35 = arith.constant 144 : index
    %get3A_36 = tpu.vector_load %arg11[%get3A_35] {strides = array<i32>} : memref<416xi32, #tpu.memory_space<vmem>>, vector<16xi32>,
    %get3A_37 = vector.shape_cast %get3A_36 : vector<16xi32> to vector<16xi32>
    %get3A_38 = arith.constant 160 : index
    %get3A_39 = tpu.vector_load %arg11[%get3A_38] {strides = array<i32>} : memref<416xi32, #tpu.memory_space<vmem>>, vector<16xi32>,
    %get3A_40 = vector.shape_cast %get3A_39 : vector<16xi32> to vector<16xi32>
    %get3A_41 = arith.constant 176 : index
    %get3A_42 = tpu.vector_load %arg11[%get3A_41] {strides = array<i32>} : memref<416xi32, #tpu.memory_space<vmem>>, vector<16xi32>,
    %get3A_43 = vector.shape_cast %get3A_42 : vector<16xi32> to vector<16xi32>
    %get3A_44 = arith.constant 192 : index
    %get3A_45 = tpu.vector_load %arg11[%get3A_44] {strides = array<i32>} : memref<416xi32, #tpu.memory_space<vmem>>, vector<16xi32>,
    %get3A_46 = vector.shape_cast %get3A_45 : vector<16xi32> to vector<16xi32>
    %get3A_47 = arith.constant 208 : index
    %get3A_48 = tpu.vector_load %arg11[%get3A_47] {strides = array<i32>} : memref<416xi32, #tpu.memory_space<vmem>>, vector<16xi32>,
    %get3A_49 = vector.shape_cast %get3A_48 : vector<16xi32> to vector<16xi32>
    %get3A_50 = arith.constant 224 : index
    %get3A_51 = tpu.vector_load %arg11[%get3A_50] {strides = array<i32>} : memref<416xi32, #tpu.memory_space<vmem>>, vector<16xi32>,
    %get3A_52 = vector.shape_cast %get3A_51 : vector<16xi32> to vector<16xi32>
    %get3A_53 = arith.constant 240 : index
    %get3A_54 = tpu.vector_load %arg11[%get3A_53] {strides = array<i32>} : memref<416xi32, #tpu.memory_space<vmem>>, vector<16xi32>,
    %get3A_55 = vector.shape_cast %get3A_54 : vector<16xi32> to vector<16xi32>
    %get3A_56 = arith.constant 256 : index
    %get3A_57 = tpu.vector_load %arg11[%get3A_56] {strides = array<i32>} : memref<416xi32, #tpu.memory_space<vmem>>, vector<16xi32>,
    %get3A_58 = vector.shape_cast %get3A_57 : vector<16xi32> to vector<16xi32>
    %get3A_59 = arith.constant 272 : index
    %get3A_60 = tpu.vector_load %arg11[%get3A_59] {strides = array<i32>} : memref<416xi32, #tpu.memory_space<vmem>>, vector<16xi32>,
    %get3A_61 = vector.shape_cast %get3A_60 : vector<16xi32> to vector<16xi32>
    %get3A_62 = arith.constant 288 : index
    %get3A_63 = tpu.vector_load %arg11[%get3A_62] {strides = array<i32>} : memref<416xi32, #tpu.memory_space<vmem>>, vector<16xi32>,
    %get3A_64 = vector.shape_cast %get3A_63 : vector<16xi32> to vector<16xi32>
    %get3A_65 = arith.constant 304 : index
    %get3A_66 = tpu.vector_load %arg11[%get3A_65] {strides = array<i32>} : memref<416xi32, #tpu.memory_space<vmem>>, vector<16xi32>,
    %get3A_67 = vector.shape_cast %get3A_66 : vector<16xi32> to vector<16xi32>
    %get3A_68 = arith.constant 320 : index
    %get3A_69 = tpu.vector_load %arg11[%get3A_68] {strides = array<i32>} : memref<416xi32, #tpu.memory_space<vmem>>, vector<16xi32>,
    %get3A_70 = vector.shape_cast %get3A_69 : vector<16xi32> to vector<16xi32>
    %get3A_71 = arith.constant 336 : index
    %get3A_72 = tpu.vector_load %arg11[%get3A_71] {strides = array<i32>} : memref<416xi32, #tpu.memory_space<vmem>>, vector<16xi32>,
    %get3A_73 = vector.shape_cast %get3A_72 : vector<16xi32> to vector<16xi32>
    %get3A_74 = arith.constant 352 : index
    %get3A_75 = tpu.vector_load %arg11[%get3A_74] {strides = array<i32>} : memref<416xi32, #tpu.memory_space<vmem>>, vector<16xi32>,
    %get3A_76 = vector.shape_cast %get3A_75 : vector<16xi32> to vector<16xi32>
    %get3A_77 = arith.constant 368 : index
    %get3A_78 = tpu.vector_load %arg11[%get3A_77] {strides = array<i32>} : memref<416xi32, #tpu.memory_space<vmem>>, vector<16xi32>,
    %get3A_79 = vector.shape_cast %get3A_78 : vector<16xi32> to vector<16xi32>
    %get3A_80 = arith.constant 384 : index
    %get3A_81 = tpu.vector_load %arg11[%get3A_80] {strides = array<i32>} : memref<416xi32, #tpu.memory_space<vmem>>, vector<16xi32>,
    %get3A_82 = vector.shape_cast %get3A_81 : vector<16xi32> to vector<16xi32>
    %get3A_83 = arith.constant 400 : index
    %get3A_84 = tpu.vector_load %arg11[%get3A_83] {strides = array<i32>} : memref<416xi32, #tpu.memory_space<vmem>>, vector<16xi32>,
    %get3A_85 = vector.shape_cast %get3A_84 : vector<16xi32> to vector<16xi32>
    %broadcast_in_dim3A = arith.constant 15999616 : i32
    %broadcast_in_dim3A_86 = vector.broadcast %broadcast_in_dim3A : i32 to vector<16xi32>
    "tpu.trace_start"() <{level = 10 : i32, message = "add_loop"}> : () -> ()
    %scan3A = arith.constant 0 : i32
    %scan3A_87 = arith.constant 0 : i32
    %scan3A_88 = arith.constant 32 : i32
    %scan3A_89 = arith.addi %scan3A_87, %scan3A_88 : i32
    %scan3A_90 = arith.constant 1 : i32
    scf.for %scan3A_119 = %scan3A_87 to %scan3A_89 step %scan3A_90  : i32 {
      %mul3A_120 = arith.constant 16 : i32
      %mul3A_121 = arith.muli %scan3A_119, %mul3A_120 : i32
      %get3A_122 = arith.constant 0 : i32
      %get3A_123 = arith.index_cast %get3A_122 : i32 to index
      %get3A_124 = arith.index_cast %mul3A_121 : i32 to index
      %get3A_125 = tpu.vector_load %arg8[%get3A_123, %get3A_124] {strides = array<i32>} : memref<26x512xi32, #tpu.memory_space<vmem>>, vector<1x16xi32>,
      %get3A_126 = vector.shape_cast %get3A_125 : vector<1x16xi32> to vector<16xi32>
      %add3A_127 = arith.addi %get3A_126, %get3A_10 : vector<16xi32>
      %add3A_128 = arith.constant 0 : i32
      %add3A_129 = arith.addi %add3A_128, %mul3A_121 : i32
      %swap3A = arith.index_cast %add3A_129 : i32 to index
      %swap3A_130 = tpu.vector_load %arg9[%swap3A] {strides = array<i32>} : memref<8192xi32, #tpu.memory_space<vmem>>, vector<16xi32>,
      %swap3A_131 = vector.shape_cast %swap3A_130 : vector<16xi32> to vector<16xi32>
      %swap3A_132 = vector.shape_cast %add3A_127 : vector<16xi32> to vector<16xi32>
      tpu.vector_store %arg9[%swap3A], %swap3A_132 {strides = array<i32>} : memref<8192xi32, #tpu.memory_space<vmem>>, vector<16xi32>,
      %get3A_133 = arith.constant 1 : i32
      %get3A_134 = arith.index_cast %get3A_133 : i32 to index
      %get3A_135 = arith.index_cast %mul3A_121 : i32 to index
      %get3A_136 = tpu.vector_load %arg8[%get3A_134, %get3A_135] {strides = array<i32>} : memref<26x512xi32, #tpu.memory_space<vmem>>, vector<1x16xi32>,
      %get3A_137 = vector.shape_cast %get3A_136 : vector<1x16xi32> to vector<16xi32>
      %add3A_138 = arith.addi %get3A_137, %get3A_13 : vector<16xi32>
      %add3A_139 = arith.constant 512 : i32
      %add3A_140 = arith.addi %add3A_139, %mul3A_121 : i32
      %swap3A_141 = arith.index_cast %add3A_140 : i32 to index
      %swap3A_142 = tpu.vector_load %arg9[%swap3A_141] {strides = array<i32>} : memref<8192xi32, #tpu.memory_space<vmem>>, vector<16xi32>,
      %swap3A_143 = vector.shape_cast %swap3A_142 : vector<16xi32> to vector<16xi32>
      %swap3A_144 = vector.shape_cast %add3A_138 : vector<16xi32> to vector<16xi32>
      tpu.vector_store %arg9[%swap3A_141], %swap3A_144 {strides = array<i32>} : memref<8192xi32, #tpu.memory_space<vmem>>, vector<16xi32>,
      %get3A_145 = arith.constant 2 : i32
      %get3A_146 = arith.index_cast %get3A_145 : i32 to index
      %get3A_147 = arith.index_cast %mul3A_121 : i32 to index
      %get3A_148 = tpu.vector_load %arg8[%get3A_146, %get3A_147] {strides = array<i32>} : memref<26x512xi32, #tpu.memory_space<vmem>>, vector<1x16xi32>,
      %get3A_149 = vector.shape_cast %get3A_148 : vector<1x16xi32> to vector<16xi32>
      %add3A_150 = arith.addi %get3A_149, %get3A_16 : vector<16xi32>
      %add3A_151 = arith.constant 1024 : i32
      %add3A_152 = arith.addi %add3A_151, %mul3A_121 : i32
      %swap3A_153 = arith.index_cast %add3A_152 : i32 to index
      %swap3A_154 = tpu.vector_load %arg9[%swap3A_153] {strides = array<i32>} : memref<8192xi32, #tpu.memory_space<vmem>>, vector<16xi32>,
      %swap3A_155 = vector.shape_cast %swap3A_154 : vector<16xi32> to vector<16xi32>
      %swap3A_156 = vector.shape_cast %add3A_150 : vector<16xi32> to vector<16xi32>
      tpu.vector_store %arg9[%swap3A_153], %swap3A_156 {strides = array<i32>} : memref<8192xi32, #tpu.memory_space<vmem>>, vector<16xi32>,
      %get3A_157 = arith.constant 3 : i32
      %get3A_158 = arith.index_cast %get3A_157 : i32 to index
      %get3A_159 = arith.index_cast %mul3A_121 : i32 to index
      %get3A_160 = tpu.vector_load %arg8[%get3A_158, %get3A_159] {strides = array<i32>} : memref<26x512xi32, #tpu.memory_space<vmem>>, vector<1x16xi32>,
      %get3A_161 = vector.shape_cast %get3A_160 : vector<1x16xi32> to vector<16xi32>
      %add3A_162 = arith.addi %get3A_161, %get3A_19 : vector<16xi32>
      %add3A_163 = arith.constant 1536 : i32
      %add3A_164 = arith.addi %add3A_163, %mul3A_121 : i32
      %swap3A_165 = arith.index_cast %add3A_164 : i32 to index
      %swap3A_166 = tpu.vector_load %arg9[%swap3A_165] {strides = array<i32>} : memref<8192xi32, #tpu.memory_space<vmem>>, vector<16xi32>,
      %swap3A_167 = vector.shape_cast %swap3A_166 : vector<16xi32> to vector<16xi32>
      %swap3A_168 = vector.shape_cast %add3A_162 : vector<16xi32> to vector<16xi32>
      tpu.vector_store %arg9[%swap3A_165], %swap3A_168 {strides = array<i32>} : memref<8192xi32, #tpu.memory_space<vmem>>, vector<16xi32>,
      %get3A_169 = arith.constant 4 : i32
      %get3A_170 = arith.index_cast %get3A_169 : i32 to index
      %get3A_171 = arith.index_cast %mul3A_121 : i32 to index
      %get3A_172 = tpu.vector_load %arg8[%get3A_170, %get3A_171] {strides = array<i32>} : memref<26x512xi32, #tpu.memory_space<vmem>>, vector<1x16xi32>,
      %get3A_173 = vector.shape_cast %get3A_172 : vector<1x16xi32> to vector<16xi32>
      %add3A_174 = arith.addi %get3A_173, %get3A_22 : vector<16xi32>
      %add3A_175 = arith.constant 2048 : i32
      %add3A_176 = arith.addi %add3A_175, %mul3A_121 : i32
      %swap3A_177 = arith.index_cast %add3A_176 : i32 to index
      %swap3A_178 = tpu.vector_load %arg9[%swap3A_177] {strides = array<i32>} : memref<8192xi32, #tpu.memory_space<vmem>>, vector<16xi32>,
      %swap3A_179 = vector.shape_cast %swap3A_178 : vector<16xi32> to vector<16xi32>
      %swap3A_180 = vector.shape_cast %add3A_174 : vector<16xi32> to vector<16xi32>
      tpu.vector_store %arg9[%swap3A_177], %swap3A_180 {strides = array<i32>} : memref<8192xi32, #tpu.memory_space<vmem>>, vector<16xi32>,
      %get3A_181 = arith.constant 5 : i32
      %get3A_182 = arith.index_cast %get3A_181 : i32 to index
      %get3A_183 = arith.index_cast %mul3A_121 : i32 to index
      %get3A_184 = tpu.vector_load %arg8[%get3A_182, %get3A_183] {strides = array<i32>} : memref<26x512xi32, #tpu.memory_space<vmem>>, vector<1x16xi32>,
      %get3A_185 = vector.shape_cast %get3A_184 : vector<1x16xi32> to vector<16xi32>
      %add3A_186 = arith.addi %get3A_185, %get3A_25 : vector<16xi32>
      %add3A_187 = arith.constant 2560 : i32
      %add3A_188 = arith.addi %add3A_187, %mul3A_121 : i32
      %swap3A_189 = arith.index_cast %add3A_188 : i32 to index
      %swap3A_190 = tpu.vector_load %arg9[%swap3A_189] {strides = array<i32>} : memref<8192xi32, #tpu.memory_space<vmem>>, vector<16xi32>,
      %swap3A_191 = vector.shape_cast %swap3A_190 : vector<16xi32> to vector<16xi32>
      %swap3A_192 = vector.shape_cast %add3A_186 : vector<16xi32> to vector<16xi32>
      tpu.vector_store %arg9[%swap3A_189], %swap3A_192 {strides = array<i32>} : memref<8192xi32, #tpu.memory_space<vmem>>, vector<16xi32>,
      %get3A_193 = arith.constant 6 : i32
      %get3A_194 = arith.index_cast %get3A_193 : i32 to index
      %get3A_195 = arith.index_cast %mul3A_121 : i32 to index
      %get3A_196 = tpu.vector_load %arg8[%get3A_194, %get3A_195] {strides = array<i32>} : memref<26x512xi32, #tpu.memory_space<vmem>>, vector<1x16xi32>,
      %get3A_197 = vector.shape_cast %get3A_196 : vector<1x16xi32> to vector<16xi32>
      %add3A_198 = arith.addi %get3A_197, %get3A_28 : vector<16xi32>
      %add3A_199 = arith.constant 3072 : i32
      %add3A_200 = arith.addi %add3A_199, %mul3A_121 : i32
      %swap3A_201 = arith.index_cast %add3A_200 : i32 to index
      %swap3A_202 = tpu.vector_load %arg9[%swap3A_201] {strides = array<i32>} : memref<8192xi32, #tpu.memory_space<vmem>>, vector<16xi32>,
      %swap3A_203 = vector.shape_cast %swap3A_202 : vector<16xi32> to vector<16xi32>
      %swap3A_204 = vector.shape_cast %add3A_198 : vector<16xi32> to vector<16xi32>
      tpu.vector_store %arg9[%swap3A_201], %swap3A_204 {strides = array<i32>} : memref<8192xi32, #tpu.memory_space<vmem>>, vector<16xi32>,
      %get3A_205 = arith.constant 7 : i32
      %get3A_206 = arith.index_cast %get3A_205 : i32 to index
      %get3A_207 = arith.index_cast %mul3A_121 : i32 to index
      %get3A_208 = tpu.vector_load %arg8[%get3A_206, %get3A_207] {strides = array<i32>} : memref<26x512xi32, #tpu.memory_space<vmem>>, vector<1x16xi32>,
      %get3A_209 = vector.shape_cast %get3A_208 : vector<1x16xi32> to vector<16xi32>
      %add3A_210 = arith.addi %get3A_209, %get3A_31 : vector<16xi32>
      %add3A_211 = arith.constant 3584 : i32
      %add3A_212 = arith.addi %add3A_211, %mul3A_121 : i32
      %swap3A_213 = arith.index_cast %add3A_212 : i32 to index
      %swap3A_214 = tpu.vector_load %arg9[%swap3A_213] {strides = array<i32>} : memref<8192xi32, #tpu.memory_space<vmem>>, vector<16xi32>,
      %swap3A_215 = vector.shape_cast %swap3A_214 : vector<16xi32> to vector<16xi32>
      %swap3A_216 = vector.shape_cast %add3A_210 : vector<16xi32> to vector<16xi32>
      tpu.vector_store %arg9[%swap3A_213], %swap3A_216 {strides = array<i32>} : memref<8192xi32, #tpu.memory_space<vmem>>, vector<16xi32>,
      %get3A_217 = arith.constant 8 : i32
      %get3A_218 = arith.index_cast %get3A_217 : i32 to index
      %get3A_219 = arith.index_cast %mul3A_121 : i32 to index
      %get3A_220 = tpu.vector_load %arg8[%get3A_218, %get3A_219] {strides = array<i32>} : memref<26x512xi32, #tpu.memory_space<vmem>>, vector<1x16xi32>,
      %get3A_221 = vector.shape_cast %get3A_220 : vector<1x16xi32> to vector<16xi32>
      %add3A_222 = arith.addi %get3A_221, %get3A_34 : vector<16xi32>
      %add3A_223 = arith.constant 4096 : i32
      %add3A_224 = arith.addi %add3A_223, %mul3A_121 : i32
      %swap3A_225 = arith.index_cast %add3A_224 : i32 to index
      %swap3A_226 = tpu.vector_load %arg9[%swap3A_225] {strides = array<i32>} : memref<8192xi32, #tpu.memory_space<vmem>>, vector<16xi32>,
      %swap3A_227 = vector.shape_cast %swap3A_226 : vector<16xi32> to vector<16xi32>
      %swap3A_228 = vector.shape_cast %add3A_222 : vector<16xi32> to vector<16xi32>
      tpu.vector_store %arg9[%swap3A_225], %swap3A_228 {strides = array<i32>} : memref<8192xi32, #tpu.memory_space<vmem>>, vector<16xi32>,
      %get3A_229 = arith.constant 9 : i32
      %get3A_230 = arith.index_cast %get3A_229 : i32 to index
      %get3A_231 = arith.index_cast %mul3A_121 : i32 to index
      %get3A_232 = tpu.vector_load %arg8[%get3A_230, %get3A_231] {strides = array<i32>} : memref<26x512xi32, #tpu.memory_space<vmem>>, vector<1x16xi32>,
      %get3A_233 = vector.shape_cast %get3A_232 : vector<1x16xi32> to vector<16xi32>
      %add3A_234 = arith.addi %get3A_233, %get3A_37 : vector<16xi32>
      %add3A_235 = arith.constant 4608 : i32
      %add3A_236 = arith.addi %add3A_235, %mul3A_121 : i32
      %swap3A_237 = arith.index_cast %add3A_236 : i32 to index
      %swap3A_238 = tpu.vector_load %arg9[%swap3A_237] {strides = array<i32>} : memref<8192xi32, #tpu.memory_space<vmem>>, vector<16xi32>,
      %swap3A_239 = vector.shape_cast %swap3A_238 : vector<16xi32> to vector<16xi32>
      %swap3A_240 = vector.shape_cast %add3A_234 : vector<16xi32> to vector<16xi32>
      tpu.vector_store %arg9[%swap3A_237], %swap3A_240 {strides = array<i32>} : memref<8192xi32, #tpu.memory_space<vmem>>, vector<16xi32>,
      %get3A_241 = arith.constant 10 : i32
      %get3A_242 = arith.index_cast %get3A_241 : i32 to index
      %get3A_243 = arith.index_cast %mul3A_121 : i32 to index
      %get3A_244 = tpu.vector_load %arg8[%get3A_242, %get3A_243] {strides = array<i32>} : memref<26x512xi32, #tpu.memory_space<vmem>>, vector<1x16xi32>,
      %get3A_245 = vector.shape_cast %get3A_244 : vector<1x16xi32> to vector<16xi32>
      %add3A_246 = arith.addi %get3A_245, %get3A_40 : vector<16xi32>
      %add3A_247 = arith.constant 5120 : i32
      %add3A_248 = arith.addi %add3A_247, %mul3A_121 : i32
      %swap3A_249 = arith.index_cast %add3A_248 : i32 to index
      %swap3A_250 = tpu.vector_load %arg9[%swap3A_249] {strides = array<i32>} : memref<8192xi32, #tpu.memory_space<vmem>>, vector<16xi32>,
      %swap3A_251 = vector.shape_cast %swap3A_250 : vector<16xi32> to vector<16xi32>
      %swap3A_252 = vector.shape_cast %add3A_246 : vector<16xi32> to vector<16xi32>
      tpu.vector_store %arg9[%swap3A_249], %swap3A_252 {strides = array<i32>} : memref<8192xi32, #tpu.memory_space<vmem>>, vector<16xi32>,
      %get3A_253 = arith.constant 11 : i32
      %get3A_254 = arith.index_cast %get3A_253 : i32 to index
      %get3A_255 = arith.index_cast %mul3A_121 : i32 to index
      %get3A_256 = tpu.vector_load %arg8[%get3A_254, %get3A_255] {strides = array<i32>} : memref<26x512xi32, #tpu.memory_space<vmem>>, vector<1x16xi32>,
      %get3A_257 = vector.shape_cast %get3A_256 : vector<1x16xi32> to vector<16xi32>
      %add3A_258 = arith.addi %get3A_257, %get3A_43 : vector<16xi32>
      %add3A_259 = arith.constant 5632 : i32
      %add3A_260 = arith.addi %add3A_259, %mul3A_121 : i32
      %swap3A_261 = arith.index_cast %add3A_260 : i32 to index
      %swap3A_262 = tpu.vector_load %arg9[%swap3A_261] {strides = array<i32>} : memref<8192xi32, #tpu.memory_space<vmem>>, vector<16xi32>,
      %swap3A_263 = vector.shape_cast %swap3A_262 : vector<16xi32> to vector<16xi32>
      %swap3A_264 = vector.shape_cast %add3A_258 : vector<16xi32> to vector<16xi32>
      tpu.vector_store %arg9[%swap3A_261], %swap3A_264 {strides = array<i32>} : memref<8192xi32, #tpu.memory_space<vmem>>, vector<16xi32>,
      %get3A_265 = arith.constant 12 : i32
      %get3A_266 = arith.index_cast %get3A_265 : i32 to index
      %get3A_267 = arith.index_cast %mul3A_121 : i32 to index
      %get3A_268 = tpu.vector_load %arg8[%get3A_266, %get3A_267] {strides = array<i32>} : memref<26x512xi32, #tpu.memory_space<vmem>>, vector<1x16xi32>,
      %get3A_269 = vector.shape_cast %get3A_268 : vector<1x16xi32> to vector<16xi32>
      %add3A_270 = arith.addi %get3A_269, %get3A_46 : vector<16xi32>
      %add3A_271 = arith.constant 6144 : i32
      %add3A_272 = arith.addi %add3A_271, %mul3A_121 : i32
      %swap3A_273 = arith.index_cast %add3A_272 : i32 to index
      %swap3A_274 = tpu.vector_load %arg9[%swap3A_273] {strides = array<i32>} : memref<8192xi32, #tpu.memory_space<vmem>>, vector<16xi32>,
      %swap3A_275 = vector.shape_cast %swap3A_274 : vector<16xi32> to vector<16xi32>
      %swap3A_276 = vector.shape_cast %add3A_270 : vector<16xi32> to vector<16xi32>
      tpu.vector_store %arg9[%swap3A_273], %swap3A_276 {strides = array<i32>} : memref<8192xi32, #tpu.memory_space<vmem>>, vector<16xi32>,
      %get3A_277 = arith.constant 13 : i32
      %get3A_278 = arith.index_cast %get3A_277 : i32 to index
      %get3A_279 = arith.index_cast %mul3A_121 : i32 to index
      %get3A_280 = tpu.vector_load %arg8[%get3A_278, %get3A_279] {strides = array<i32>} : memref<26x512xi32, #tpu.memory_space<vmem>>, vector<1x16xi32>,
      %get3A_281 = vector.shape_cast %get3A_280 : vector<1x16xi32> to vector<16xi32>
      %add3A_282 = arith.addi %get3A_281, %get3A_49 : vector<16xi32>
      %add3A_283 = arith.constant 6656 : i32
      %add3A_284 = arith.addi %add3A_283, %mul3A_121 : i32
      %swap3A_285 = arith.index_cast %add3A_284 : i32 to index
      %swap3A_286 = tpu.vector_load %arg9[%swap3A_285] {strides = array<i32>} : memref<8192xi32, #tpu.memory_space<vmem>>, vector<16xi32>,
      %swap3A_287 = vector.shape_cast %swap3A_286 : vector<16xi32> to vector<16xi32>
      %swap3A_288 = vector.shape_cast %add3A_282 : vector<16xi32> to vector<16xi32>
      tpu.vector_store %arg9[%swap3A_285], %swap3A_288 {strides = array<i32>} : memref<8192xi32, #tpu.memory_space<vmem>>, vector<16xi32>,
      %get3A_289 = arith.constant 14 : i32
      %get3A_290 = arith.index_cast %get3A_289 : i32 to index
      %get3A_291 = arith.index_cast %mul3A_121 : i32 to index
      %get3A_292 = tpu.vector_load %arg8[%get3A_290, %get3A_291] {strides = array<i32>} : memref<26x512xi32, #tpu.memory_space<vmem>>, vector<1x16xi32>,
      %get3A_293 = vector.shape_cast %get3A_292 : vector<1x16xi32> to vector<16xi32>
      %add3A_294 = arith.addi %get3A_293, %get3A_52 : vector<16xi32>
      %add3A_295 = arith.constant 7168 : i32
      %add3A_296 = arith.addi %add3A_295, %mul3A_121 : i32
      %swap3A_297 = arith.index_cast %add3A_296 : i32 to index
      %swap3A_298 = tpu.vector_load %arg9[%swap3A_297] {strides = array<i32>} : memref<8192xi32, #tpu.memory_space<vmem>>, vector<16xi32>,
      %swap3A_299 = vector.shape_cast %swap3A_298 : vector<16xi32> to vector<16xi32>
      %swap3A_300 = vector.shape_cast %add3A_294 : vector<16xi32> to vector<16xi32>
      tpu.vector_store %arg9[%swap3A_297], %swap3A_300 {strides = array<i32>} : memref<8192xi32, #tpu.memory_space<vmem>>, vector<16xi32>,
      %get3A_301 = arith.constant 15 : i32
      %get3A_302 = arith.index_cast %get3A_301 : i32 to index
      %get3A_303 = arith.index_cast %mul3A_121 : i32 to index
      %get3A_304 = tpu.vector_load %arg8[%get3A_302, %get3A_303] {strides = array<i32>} : memref<26x512xi32, #tpu.memory_space<vmem>>, vector<1x16xi32>,
      %get3A_305 = vector.shape_cast %get3A_304 : vector<1x16xi32> to vector<16xi32>
      %add3A_306 = arith.addi %get3A_305, %get3A_55 : vector<16xi32>
      %add3A_307 = arith.constant 7680 : i32
      %add3A_308 = arith.addi %add3A_307, %mul3A_121 : i32
      %swap3A_309 = arith.index_cast %add3A_308 : i32 to index
      %swap3A_310 = tpu.vector_load %arg9[%swap3A_309] {strides = array<i32>} : memref<8192xi32, #tpu.memory_space<vmem>>, vector<16xi32>,
      %swap3A_311 = vector.shape_cast %swap3A_310 : vector<16xi32> to vector<16xi32>
      %swap3A_312 = vector.shape_cast %add3A_306 : vector<16xi32> to vector<16xi32>
      tpu.vector_store %arg9[%swap3A_309], %swap3A_312 {strides = array<i32>} : memref<8192xi32, #tpu.memory_space<vmem>>, vector<16xi32>,
      %get3A_313 = arith.constant 16 : i32
      %get3A_314 = arith.index_cast %get3A_313 : i32 to index
      %get3A_315 = arith.index_cast %mul3A_121 : i32 to index
      %get3A_316 = tpu.vector_load %arg8[%get3A_314, %get3A_315] {strides = array<i32>} : memref<26x512xi32, #tpu.memory_space<vmem>>, vector<1x16xi32>,
      %get3A_317 = vector.shape_cast %get3A_316 : vector<1x16xi32> to vector<16xi32>
      %sub3A = arith.subi %get3A_58, %broadcast_in_dim3A_86 : vector<16xi32>
      %add3A_318 = arith.addi %get3A_317, %sub3A : vector<16xi32>
      %add3A_319 = arith.constant 0 : i32
      %add3A_320 = arith.addi %add3A_319, %mul3A_121 : i32
      %swap3A_321 = arith.index_cast %add3A_320 : i32 to index
      %swap3A_322 = tpu.vector_load %arg10[%swap3A_321] {strides = array<i32>} : memref<5120xi32, #tpu.memory_space<vmem>>, vector<16xi32>,
      %swap3A_323 = vector.shape_cast %swap3A_322 : vector<16xi32> to vector<16xi32>
      %swap3A_324 = vector.shape_cast %add3A_318 : vector<16xi32> to vector<16xi32>
      tpu.vector_store %arg10[%swap3A_321], %swap3A_324 {strides = array<i32>} : memref<5120xi32, #tpu.memory_space<vmem>>, vector<16xi32>,
      %get3A_325 = arith.constant 17 : i32
      %get3A_326 = arith.index_cast %get3A_325 : i32 to index
      %get3A_327 = arith.index_cast %mul3A_121 : i32 to index
      %get3A_328 = tpu.vector_load %arg8[%get3A_326, %get3A_327] {strides = array<i32>} : memref<26x512xi32, #tpu.memory_space<vmem>>, vector<1x16xi32>,
      %get3A_329 = vector.shape_cast %get3A_328 : vector<1x16xi32> to vector<16xi32>
      %sub3A_330 = arith.subi %get3A_61, %broadcast_in_dim3A_86 : vector<16xi32>
      %add3A_331 = arith.addi %get3A_329, %sub3A_330 : vector<16xi32>
      %add3A_332 = arith.constant 512 : i32
      %add3A_333 = arith.addi %add3A_332, %mul3A_121 : i32
      %swap3A_334 = arith.index_cast %add3A_333 : i32 to index
      %swap3A_335 = tpu.vector_load %arg10[%swap3A_334] {strides = array<i32>} : memref<5120xi32, #tpu.memory_space<vmem>>, vector<16xi32>,
      %swap3A_336 = vector.shape_cast %swap3A_335 : vector<16xi32> to vector<16xi32>
      %swap3A_337 = vector.shape_cast %add3A_331 : vector<16xi32> to vector<16xi32>
      tpu.vector_store %arg10[%swap3A_334], %swap3A_337 {strides = array<i32>} : memref<5120xi32, #tpu.memory_space<vmem>>, vector<16xi32>,
      %get3A_338 = arith.constant 18 : i32
      %get3A_339 = arith.index_cast %get3A_338 : i32 to index
      %get3A_340 = arith.index_cast %mul3A_121 : i32 to index
      %get3A_341 = tpu.vector_load %arg8[%get3A_339, %get3A_340] {strides = array<i32>} : memref<26x512xi32, #tpu.memory_space<vmem>>, vector<1x16xi32>,
      %get3A_342 = vector.shape_cast %get3A_341 : vector<1x16xi32> to vector<16xi32>
      %sub3A_343 = arith.subi %get3A_64, %broadcast_in_dim3A_86 : vector<16xi32>
      %add3A_344 = arith.addi %get3A_342, %sub3A_343 : vector<16xi32>
      %add3A_345 = arith.constant 1024 : i32
      %add3A_346 = arith.addi %add3A_345, %mul3A_121 : i32
      %swap3A_347 = arith.index_cast %add3A_346 : i32 to index
      %swap3A_348 = tpu.vector_load %arg10[%swap3A_347] {strides = array<i32>} : memref<5120xi32, #tpu.memory_space<vmem>>, vector<16xi32>,
      %swap3A_349 = vector.shape_cast %swap3A_348 : vector<16xi32> to vector<16xi32>
      %swap3A_350 = vector.shape_cast %add3A_344 : vector<16xi32> to vector<16xi32>
      tpu.vector_store %arg10[%swap3A_347], %swap3A_350 {strides = array<i32>} : memref<5120xi32, #tpu.memory_space<vmem>>, vector<16xi32>,
      %get3A_351 = arith.constant 19 : i32
      %get3A_352 = arith.index_cast %get3A_351 : i32 to index
      %get3A_353 = arith.index_cast %mul3A_121 : i32 to index
      %get3A_354 = tpu.vector_load %arg8[%get3A_352, %get3A_353] {strides = array<i32>} : memref<26x512xi32, #tpu.memory_space<vmem>>, vector<1x16xi32>,
      %get3A_355 = vector.shape_cast %get3A_354 : vector<1x16xi32> to vector<16xi32>
      %sub3A_356 = arith.subi %get3A_67, %broadcast_in_dim3A_86 : vector<16xi32>
      %add3A_357 = arith.addi %get3A_355, %sub3A_356 : vector<16xi32>
      %add3A_358 = arith.constant 1536 : i32
      %add3A_359 = arith.addi %add3A_358, %mul3A_121 : i32
      %swap3A_360 = arith.index_cast %add3A_359 : i32 to index
      %swap3A_361 = tpu.vector_load %arg10[%swap3A_360] {strides = array<i32>} : memref<5120xi32, #tpu.memory_space<vmem>>, vector<16xi32>,
      %swap3A_362 = vector.shape_cast %swap3A_361 : vector<16xi32> to vector<16xi32>
      %swap3A_363 = vector.shape_cast %add3A_357 : vector<16xi32> to vector<16xi32>
      tpu.vector_store %arg10[%swap3A_360], %swap3A_363 {strides = array<i32>} : memref<5120xi32, #tpu.memory_space<vmem>>, vector<16xi32>,
      %get3A_364 = arith.constant 20 : i32
      %get3A_365 = arith.index_cast %get3A_364 : i32 to index
      %get3A_366 = arith.index_cast %mul3A_121 : i32 to index
      %get3A_367 = tpu.vector_load %arg8[%get3A_365, %get3A_366] {strides = array<i32>} : memref<26x512xi32, #tpu.memory_space<vmem>>, vector<1x16xi32>,
      %get3A_368 = vector.shape_cast %get3A_367 : vector<1x16xi32> to vector<16xi32>
      %sub3A_369 = arith.subi %get3A_70, %broadcast_in_dim3A_86 : vector<16xi32>
      %add3A_370 = arith.addi %get3A_368, %sub3A_369 : vector<16xi32>
      %add3A_371 = arith.constant 2048 : i32
      %add3A_372 = arith.addi %add3A_371, %mul3A_121 : i32
      %swap3A_373 = arith.index_cast %add3A_372 : i32 to index
      %swap3A_374 = tpu.vector_load %arg10[%swap3A_373] {strides = array<i32>} : memref<5120xi32, #tpu.memory_space<vmem>>, vector<16xi32>,
      %swap3A_375 = vector.shape_cast %swap3A_374 : vector<16xi32> to vector<16xi32>
      %swap3A_376 = vector.shape_cast %add3A_370 : vector<16xi32> to vector<16xi32>
      tpu.vector_store %arg10[%swap3A_373], %swap3A_376 {strides = array<i32>} : memref<5120xi32, #tpu.memory_space<vmem>>, vector<16xi32>,
      %get3A_377 = arith.constant 21 : i32
      %get3A_378 = arith.index_cast %get3A_377 : i32 to index
      %get3A_379 = arith.index_cast %mul3A_121 : i32 to index
      %get3A_380 = tpu.vector_load %arg8[%get3A_378, %get3A_379] {strides = array<i32>} : memref<26x512xi32, #tpu.memory_space<vmem>>, vector<1x16xi32>,
      %get3A_381 = vector.shape_cast %get3A_380 : vector<1x16xi32> to vector<16xi32>
      %sub3A_382 = arith.subi %get3A_73, %broadcast_in_dim3A_86 : vector<16xi32>
      %add3A_383 = arith.addi %get3A_381, %sub3A_382 : vector<16xi32>
      %add3A_384 = arith.constant 2560 : i32
      %add3A_385 = arith.addi %add3A_384, %mul3A_121 : i32
      %swap3A_386 = arith.index_cast %add3A_385 : i32 to index
      %swap3A_387 = tpu.vector_load %arg10[%swap3A_386] {strides = array<i32>} : memref<5120xi32, #tpu.memory_space<vmem>>, vector<16xi32>,
      %swap3A_388 = vector.shape_cast %swap3A_387 : vector<16xi32> to vector<16xi32>
      %swap3A_389 = vector.shape_cast %add3A_383 : vector<16xi32> to vector<16xi32>
      tpu.vector_store %arg10[%swap3A_386], %swap3A_389 {strides = array<i32>} : memref<5120xi32, #tpu.memory_space<vmem>>, vector<16xi32>,
      %get3A_390 = arith.constant 22 : i32
      %get3A_391 = arith.index_cast %get3A_390 : i32 to index
      %get3A_392 = arith.index_cast %mul3A_121 : i32 to index
      %get3A_393 = tpu.vector_load %arg8[%get3A_391, %get3A_392] {strides = array<i32>} : memref<26x512xi32, #tpu.memory_space<vmem>>, vector<1x16xi32>,
      %get3A_394 = vector.shape_cast %get3A_393 : vector<1x16xi32> to vector<16xi32>
      %sub3A_395 = arith.subi %get3A_76, %broadcast_in_dim3A_86 : vector<16xi32>
      %add3A_396 = arith.addi %get3A_394, %sub3A_395 : vector<16xi32>
      %add3A_397 = arith.constant 3072 : i32
      %add3A_398 = arith.addi %add3A_397, %mul3A_121 : i32
      %swap3A_399 = arith.index_cast %add3A_398 : i32 to index
      %swap3A_400 = tpu.vector_load %arg10[%swap3A_399] {strides = array<i32>} : memref<5120xi32, #tpu.memory_space<vmem>>, vector<16xi32>,
      %swap3A_401 = vector.shape_cast %swap3A_400 : vector<16xi32> to vector<16xi32>
      %swap3A_402 = vector.shape_cast %add3A_396 : vector<16xi32> to vector<16xi32>
      tpu.vector_store %arg10[%swap3A_399], %swap3A_402 {strides = array<i32>} : memref<5120xi32, #tpu.memory_space<vmem>>, vector<16xi32>,
      %get3A_403 = arith.constant 23 : i32
      %get3A_404 = arith.index_cast %get3A_403 : i32 to index
      %get3A_405 = arith.index_cast %mul3A_121 : i32 to index
      %get3A_406 = tpu.vector_load %arg8[%get3A_404, %get3A_405] {strides = array<i32>} : memref<26x512xi32, #tpu.memory_space<vmem>>, vector<1x16xi32>,
      %get3A_407 = vector.shape_cast %get3A_406 : vector<1x16xi32> to vector<16xi32>
      %sub3A_408 = arith.subi %get3A_79, %broadcast_in_dim3A_86 : vector<16xi32>
      %add3A_409 = arith.addi %get3A_407, %sub3A_408 : vector<16xi32>
      %add3A_410 = arith.constant 3584 : i32
      %add3A_411 = arith.addi %add3A_410, %mul3A_121 : i32
      %swap3A_412 = arith.index_cast %add3A_411 : i32 to index
      %swap3A_413 = tpu.vector_load %arg10[%swap3A_412] {strides = array<i32>} : memref<5120xi32, #tpu.memory_space<vmem>>, vector<16xi32>,
      %swap3A_414 = vector.shape_cast %swap3A_413 : vector<16xi32> to vector<16xi32>
      %swap3A_415 = vector.shape_cast %add3A_409 : vector<16xi32> to vector<16xi32>
      tpu.vector_store %arg10[%swap3A_412], %swap3A_415 {strides = array<i32>} : memref<5120xi32, #tpu.memory_space<vmem>>, vector<16xi32>,
      %get3A_416 = arith.constant 24 : i32
      %get3A_417 = arith.index_cast %get3A_416 : i32 to index
      %get3A_418 = arith.index_cast %mul3A_121 : i32 to index
      %get3A_419 = tpu.vector_load %arg8[%get3A_417, %get3A_418] {strides = array<i32>} : memref<26x512xi32, #tpu.memory_space<vmem>>, vector<1x16xi32>,
      %get3A_420 = vector.shape_cast %get3A_419 : vector<1x16xi32> to vector<16xi32>
      %sub3A_421 = arith.subi %get3A_82, %broadcast_in_dim3A_86 : vector<16xi32>
      %add3A_422 = arith.addi %get3A_420, %sub3A_421 : vector<16xi32>
      %add3A_423 = arith.constant 4096 : i32
      %add3A_424 = arith.addi %add3A_423, %mul3A_121 : i32
      %swap3A_425 = arith.index_cast %add3A_424 : i32 to index
      %swap3A_426 = tpu.vector_load %arg10[%swap3A_425] {strides = array<i32>} : memref<5120xi32, #tpu.memory_space<vmem>>, vector<16xi32>,
      %swap3A_427 = vector.shape_cast %swap3A_426 : vector<16xi32> to vector<16xi32>
      %swap3A_428 = vector.shape_cast %add3A_422 : vector<16xi32> to vector<16xi32>
      tpu.vector_store %arg10[%swap3A_425], %swap3A_428 {strides = array<i32>} : memref<5120xi32, #tpu.memory_space<vmem>>, vector<16xi32>,
      %get3A_429 = arith.constant 25 : i32
      %get3A_430 = arith.index_cast %get3A_429 : i32 to index
      %get3A_431 = arith.index_cast %mul3A_121 : i32 to index
      %get3A_432 = tpu.vector_load %arg8[%get3A_430, %get3A_431] {strides = array<i32>} : memref<26x512xi32, #tpu.memory_space<vmem>>, vector<1x16xi32>,
      %get3A_433 = vector.shape_cast %get3A_432 : vector<1x16xi32> to vector<16xi32>
      %sub3A_434 = arith.subi %get3A_85, %broadcast_in_dim3A_86 : vector<16xi32>
      %add3A_435 = arith.addi %get3A_433, %sub3A_434 : vector<16xi32>
      %add3A_436 = arith.constant 4608 : i32
      %add3A_437 = arith.addi %add3A_436, %mul3A_121 : i32
      %swap3A_438 = arith.index_cast %add3A_437 : i32 to index
      %swap3A_439 = tpu.vector_load %arg10[%swap3A_438] {strides = array<i32>} : memref<5120xi32, #tpu.memory_space<vmem>>, vector<16xi32>,
      %swap3A_440 = vector.shape_cast %swap3A_439 : vector<16xi32> to vector<16xi32>
      %swap3A_441 = vector.shape_cast %add3A_435 : vector<16xi32> to vector<16xi32>
      tpu.vector_store %arg10[%swap3A_438], %swap3A_441 {strides = array<i32>} : memref<5120xi32, #tpu.memory_space<vmem>>, vector<16xi32>,
    }
    %scan3A_91 = arith.constant 32 : i32
    "tpu.trace_stop"() : () -> ()
    "tpu.trace_start"() <{level = 10 : i32, message = "gather"}> : () -> ()
    %dma_start3A_92 = arith.constant 0 : i32
    %dma_start3A_93 = tpu.memref_slice %arg7[%add3A, %dma_start3A_92] : memref<32x5120xi32, #tpu.memory_space<hbm>> -> memref<1x5120xi32, #tpu.memory_space<hbm>>
    %dma_start3A_94 = tpu.memref_squeeze %dma_start3A_93 : memref<1x5120xi32, #tpu.memory_space<hbm>> -> memref<5120xi32, #tpu.memory_space<hbm>>
    %dma_start3A_95 = arith.constant 0 : i32
    %dma_start3A_96 = tpu.memref_slice %arg7[%add3A, %dma_start3A_95] : memref<32x5120xi32, #tpu.memory_space<hbm>> -> memref<1x5120xi32, #tpu.memory_space<hbm>>
    %dma_start3A_97 = tpu.memref_squeeze %dma_start3A_96 : memref<1x5120xi32, #tpu.memory_space<hbm>> -> memref<5120xi32, #tpu.memory_space<hbm>>
    tpu.enqueue_dma source(%arg10 : memref<5120xi32, #tpu.memory_space<vmem>>) target(%dma_start3A_97 : memref<5120xi32, #tpu.memory_space<hbm>>) target_semaphore(%arg15 : memref<!tpu.dma_semaphore, #tpu.memory_space<semaphore_mem>>)
    %dma_start3A_98 = arith.constant 0 : i32
    %dma_start3A_99 = tpu.memref_slice %arg4[%dma_start3A_98] : memref<16000000xf32, #tpu.memory_space<hbm>> -> memref<16000000xf32, #tpu.memory_space<hbm>>
    tpu.enqueue_indirect_dma source(%dma_start3A_99 : memref<16000000xf32, #tpu.memory_space<hbm>>) target(%arg12 : memref<8192xf32, #tpu.memory_space<vmem>>) offsets(%arg9 : memref<8192xi32, #tpu.memory_space<vmem>>) semaphore(%arg15 : memref<!tpu.dma_semaphore, #tpu.memory_space<semaphore_mem>>)
    %dma_wait3A_100 = arith.constant 0 : i32
    %dma_wait3A_101 = tpu.memref_slice %arg4[%dma_wait3A_100] : memref<16000000xf32, #tpu.memory_space<hbm>> -> memref<16000000xf32, #tpu.memory_space<hbm>>
    tpu.wait_indirect_dma semaphore(%arg15 : memref<!tpu.dma_semaphore, #tpu.memory_space<semaphore_mem>>) src(%dma_wait3A_101 : memref<16000000xf32, #tpu.memory_space<hbm>>) dst(%arg12 : memref<8192xf32, #tpu.memory_space<vmem>>)
    %dma_wait3A_102 = arith.constant 0 : i32
    %dma_wait3A_103 = tpu.memref_slice %arg7[%add3A, %dma_wait3A_102] : memref<32x5120xi32, #tpu.memory_space<hbm>> -> memref<1x5120xi32, #tpu.memory_space<hbm>>
    %dma_wait3A_104 = tpu.memref_squeeze %dma_wait3A_103 : memref<1x5120xi32, #tpu.memory_space<hbm>> -> memref<5120xi32, #tpu.memory_space<hbm>>
    %dma_wait3A_105 = arith.constant 0 : i32
    %dma_wait3A_106 = tpu.memref_slice %arg7[%add3A, %dma_wait3A_105] : memref<32x5120xi32, #tpu.memory_space<hbm>> -> memref<1x5120xi32, #tpu.memory_space<hbm>>
    %dma_wait3A_107 = tpu.memref_squeeze %dma_wait3A_106 : memref<1x5120xi32, #tpu.memory_space<hbm>> -> memref<5120xi32, #tpu.memory_space<hbm>>
    tpu.wait_dma2 semaphore(%arg15 : memref<!tpu.dma_semaphore, #tpu.memory_space<semaphore_mem>>) src(%arg10 : memref<5120xi32, #tpu.memory_space<vmem>>) dst(%dma_wait3A_107 : memref<5120xi32, #tpu.memory_space<hbm>>)
    "tpu.trace_stop"() : () -> ()
    %get3A_108 = arith.constant 0 : index
    %get3A_109 = tpu.vector_load %arg13[%get3A_108] {strides = array<i32>} : memref<16xf32, #tpu.memory_space<vmem>>, vector<16xf32>,
    %get3A_110 = vector.shape_cast %get3A_109 : vector<16xf32> to vector<16xf32>
    "tpu.trace_start"() <{level = 10 : i32, message = "reduce"}> : () -> ()
    %scan3A_111 = arith.constant 0 : i32
    %scan3A_112 = arith.constant 0 : i32
    %scan3A_113 = arith.constant 32 : i32
    %scan3A_114 = arith.addi %scan3A_112, %scan3A_113 : i32
    %scan3A_115 = arith.constant 1 : i32
    scf.for %scan3A_119 = %scan3A_112 to %scan3A_114 step %scan3A_115  : i32 {
      %mul3A_120 = arith.constant 16 : i32
      %mul3A_121 = arith.muli %scan3A_119, %mul3A_120 : i32
      %add3A_122 = arith.constant 0 : i32
      %add3A_123 = arith.addi %add3A_122, %mul3A_121 : i32
      %get3A_124 = arith.index_cast %add3A_123 : i32 to index
      %get3A_125 = tpu.vector_load %arg12[%get3A_124] {strides = array<i32>} : memref<8192xf32, #tpu.memory_space<vmem>>, vector<16xf32>,
      %get3A_126 = vector.shape_cast %get3A_125 : vector<16xf32> to vector<16xf32>
      %add3A_127 = arith.addf %get3A_110, %get3A_126 : vector<16xf32>
      %add3A_128 = arith.constant 512 : i32
      %add3A_129 = arith.addi %add3A_128, %mul3A_121 : i32
      %get3A_130 = arith.index_cast %add3A_129 : i32 to index
      %get3A_131 = tpu.vector_load %arg12[%get3A_130] {strides = array<i32>} : memref<8192xf32, #tpu.memory_space<vmem>>, vector<16xf32>,
      %get3A_132 = vector.shape_cast %get3A_131 : vector<16xf32> to vector<16xf32>
      %add3A_133 = arith.addf %add3A_127, %get3A_132 : vector<16xf32>
      %add3A_134 = arith.constant 1024 : i32
      %add3A_135 = arith.addi %add3A_134, %mul3A_121 : i32
      %get3A_136 = arith.index_cast %add3A_135 : i32 to index
      %get3A_137 = tpu.vector_load %arg12[%get3A_136] {strides = array<i32>} : memref<8192xf32, #tpu.memory_space<vmem>>, vector<16xf32>,
      %get3A_138 = vector.shape_cast %get3A_137 : vector<16xf32> to vector<16xf32>
      %add3A_139 = arith.addf %add3A_133, %get3A_138 : vector<16xf32>
      %add3A_140 = arith.constant 1536 : i32
      %add3A_141 = arith.addi %add3A_140, %mul3A_121 : i32
      %get3A_142 = arith.index_cast %add3A_141 : i32 to index
      %get3A_143 = tpu.vector_load %arg12[%get3A_142] {strides = array<i32>} : memref<8192xf32, #tpu.memory_space<vmem>>, vector<16xf32>,
      %get3A_144 = vector.shape_cast %get3A_143 : vector<16xf32> to vector<16xf32>
      %add3A_145 = arith.addf %add3A_139, %get3A_144 : vector<16xf32>
      %add3A_146 = arith.constant 2048 : i32
      %add3A_147 = arith.addi %add3A_146, %mul3A_121 : i32
      %get3A_148 = arith.index_cast %add3A_147 : i32 to index
      %get3A_149 = tpu.vector_load %arg12[%get3A_148] {strides = array<i32>} : memref<8192xf32, #tpu.memory_space<vmem>>, vector<16xf32>,
      %get3A_150 = vector.shape_cast %get3A_149 : vector<16xf32> to vector<16xf32>
      %add3A_151 = arith.addf %add3A_145, %get3A_150 : vector<16xf32>
      %add3A_152 = arith.constant 2560 : i32
      %add3A_153 = arith.addi %add3A_152, %mul3A_121 : i32
      %get3A_154 = arith.index_cast %add3A_153 : i32 to index
      %get3A_155 = tpu.vector_load %arg12[%get3A_154] {strides = array<i32>} : memref<8192xf32, #tpu.memory_space<vmem>>, vector<16xf32>,
      %get3A_156 = vector.shape_cast %get3A_155 : vector<16xf32> to vector<16xf32>
      %add3A_157 = arith.addf %add3A_151, %get3A_156 : vector<16xf32>
      %add3A_158 = arith.constant 3072 : i32
      %add3A_159 = arith.addi %add3A_158, %mul3A_121 : i32
      %get3A_160 = arith.index_cast %add3A_159 : i32 to index
      %get3A_161 = tpu.vector_load %arg12[%get3A_160] {strides = array<i32>} : memref<8192xf32, #tpu.memory_space<vmem>>, vector<16xf32>,
      %get3A_162 = vector.shape_cast %get3A_161 : vector<16xf32> to vector<16xf32>
      %add3A_163 = arith.addf %add3A_157, %get3A_162 : vector<16xf32>
      %add3A_164 = arith.constant 3584 : i32
      %add3A_165 = arith.addi %add3A_164, %mul3A_121 : i32
      %get3A_166 = arith.index_cast %add3A_165 : i32 to index
      %get3A_167 = tpu.vector_load %arg12[%get3A_166] {strides = array<i32>} : memref<8192xf32, #tpu.memory_space<vmem>>, vector<16xf32>,
      %get3A_168 = vector.shape_cast %get3A_167 : vector<16xf32> to vector<16xf32>
      %add3A_169 = arith.addf %add3A_163, %get3A_168 : vector<16xf32>
      %add3A_170 = arith.constant 4096 : i32
      %add3A_171 = arith.addi %add3A_170, %mul3A_121 : i32
      %get3A_172 = arith.index_cast %add3A_171 : i32 to index
      %get3A_173 = tpu.vector_load %arg12[%get3A_172] {strides = array<i32>} : memref<8192xf32, #tpu.memory_space<vmem>>, vector<16xf32>,
      %get3A_174 = vector.shape_cast %get3A_173 : vector<16xf32> to vector<16xf32>
      %add3A_175 = arith.addf %add3A_169, %get3A_174 : vector<16xf32>
      %add3A_176 = arith.constant 4608 : i32
      %add3A_177 = arith.addi %add3A_176, %mul3A_121 : i32
      %get3A_178 = arith.index_cast %add3A_177 : i32 to index
      %get3A_179 = tpu.vector_load %arg12[%get3A_178] {strides = array<i32>} : memref<8192xf32, #tpu.memory_space<vmem>>, vector<16xf32>,
      %get3A_180 = vector.shape_cast %get3A_179 : vector<16xf32> to vector<16xf32>
      %add3A_181 = arith.addf %add3A_175, %get3A_180 : vector<16xf32>
      %add3A_182 = arith.constant 5120 : i32
      %add3A_183 = arith.addi %add3A_182, %mul3A_121 : i32
      %get3A_184 = arith.index_cast %add3A_183 : i32 to index
      %get3A_185 = tpu.vector_load %arg12[%get3A_184] {strides = array<i32>} : memref<8192xf32, #tpu.memory_space<vmem>>, vector<16xf32>,
      %get3A_186 = vector.shape_cast %get3A_185 : vector<16xf32> to vector<16xf32>
      %add3A_187 = arith.addf %add3A_181, %get3A_186 : vector<16xf32>
      %add3A_188 = arith.constant 5632 : i32
      %add3A_189 = arith.addi %add3A_188, %mul3A_121 : i32
      %get3A_190 = arith.index_cast %add3A_189 : i32 to index
      %get3A_191 = tpu.vector_load %arg12[%get3A_190] {strides = array<i32>} : memref<8192xf32, #tpu.memory_space<vmem>>, vector<16xf32>,
      %get3A_192 = vector.shape_cast %get3A_191 : vector<16xf32> to vector<16xf32>
      %add3A_193 = arith.addf %add3A_187, %get3A_192 : vector<16xf32>
      %add3A_194 = arith.constant 6144 : i32
      %add3A_195 = arith.addi %add3A_194, %mul3A_121 : i32
      %get3A_196 = arith.index_cast %add3A_195 : i32 to index
      %get3A_197 = tpu.vector_load %arg12[%get3A_196] {strides = array<i32>} : memref<8192xf32, #tpu.memory_space<vmem>>, vector<16xf32>,
      %get3A_198 = vector.shape_cast %get3A_197 : vector<16xf32> to vector<16xf32>
      %add3A_199 = arith.addf %add3A_193, %get3A_198 : vector<16xf32>
      %add3A_200 = arith.constant 6656 : i32
      %add3A_201 = arith.addi %add3A_200, %mul3A_121 : i32
      %get3A_202 = arith.index_cast %add3A_201 : i32 to index
      %get3A_203 = tpu.vector_load %arg12[%get3A_202] {strides = array<i32>} : memref<8192xf32, #tpu.memory_space<vmem>>, vector<16xf32>,
      %get3A_204 = vector.shape_cast %get3A_203 : vector<16xf32> to vector<16xf32>
      %add3A_205 = arith.addf %add3A_199, %get3A_204 : vector<16xf32>
      %add3A_206 = arith.constant 7168 : i32
      %add3A_207 = arith.addi %add3A_206, %mul3A_121 : i32
      %get3A_208 = arith.index_cast %add3A_207 : i32 to index
      %get3A_209 = tpu.vector_load %arg12[%get3A_208] {strides = array<i32>} : memref<8192xf32, #tpu.memory_space<vmem>>, vector<16xf32>,
      %get3A_210 = vector.shape_cast %get3A_209 : vector<16xf32> to vector<16xf32>
      %add3A_211 = arith.addf %add3A_205, %get3A_210 : vector<16xf32>
      %add3A_212 = arith.constant 7680 : i32
      %add3A_213 = arith.addi %add3A_212, %mul3A_121 : i32
      %get3A_214 = arith.index_cast %add3A_213 : i32 to index
      %get3A_215 = tpu.vector_load %arg12[%get3A_214] {strides = array<i32>} : memref<8192xf32, #tpu.memory_space<vmem>>, vector<16xf32>,
      %get3A_216 = vector.shape_cast %get3A_215 : vector<16xf32> to vector<16xf32>
      %add3A_217 = arith.addf %add3A_211, %get3A_216 : vector<16xf32>
      %swap3A = arith.index_cast %mul3A_121 : i32 to index
      %swap3A_218 = tpu.vector_load %arg14[%swap3A] {strides = array<i32>} : memref<512xf32, #tpu.memory_space<vmem>>, vector<16xf32>,
      %swap3A_219 = vector.shape_cast %swap3A_218 : vector<16xf32> to vector<16xf32>
      %swap3A_220 = vector.shape_cast %add3A_217 : vector<16xf32> to vector<16xf32>
      tpu.vector_store %arg14[%swap3A], %swap3A_220 {strides = array<i32>} : memref<512xf32, #tpu.memory_space<vmem>>, vector<16xf32>,
    }
    %scan3A_116 = arith.constant 32 : i32
    "tpu.trace_stop"() : () -> ()
    "tpu.trace_start"() <{level = 10 : i32, message = "dma_out"}> : () -> ()
    %mul3A_117 = arith.constant 512 : i32
    %mul3A_118 = arith.muli %add3A, %mul3A_117 : i32
    "tpu.region"() ({
      %run_scoped3A = tpu.sem_alloc : memref<!tpu.dma_semaphore, #tpu.memory_space<semaphore_mem>>
      %dma_start3A_119 = tpu.memref_slice %arg6[%mul3A_118] : memref<16384xf32, #tpu.memory_space<hbm>> -> memref<512xf32, #tpu.memory_space<hbm>>
      %dma_start3A_120 = tpu.memref_slice %arg6[%mul3A_118] : memref<16384xf32, #tpu.memory_space<hbm>> -> memref<512xf32, #tpu.memory_space<hbm>>
      tpu.enqueue_dma source(%arg14 : memref<512xf32, #tpu.memory_space<vmem>>) target(%dma_start3A_120 : memref<512xf32, #tpu.memory_space<hbm>>) target_semaphore(%run_scoped3A : memref<!tpu.dma_semaphore, #tpu.memory_space<semaphore_mem>>)
      %dma_wait3A_121 = tpu.memref_slice %arg6[%mul3A_118] : memref<16384xf32, #tpu.memory_space<hbm>> -> memref<512xf32, #tpu.memory_space<hbm>>
      %dma_wait3A_122 = tpu.memref_slice %arg6[%mul3A_118] : memref<16384xf32, #tpu.memory_space<hbm>> -> memref<512xf32, #tpu.memory_space<hbm>>
      tpu.wait_dma2 semaphore(%run_scoped3A : memref<!tpu.dma_semaphore, #tpu.memory_space<semaphore_mem>>) src(%arg14 : memref<512xf32, #tpu.memory_space<vmem>>) dst(%dma_wait3A_122 : memref<512xf32, #tpu.memory_space<hbm>>)
      tpu.yield
    }) : () -> ()
    "tpu.trace_stop"() : () -> ()
    return
  }
}

#map = affine_map<(d0, d1) -> (0, 0)>
#map1 = affine_map<(d0, d1) -> (0)>
module attributes {stable_mosaic.version = 14 : i64} {
  func.func @k2(%arg0: i32, %arg1: i32, %arg2: memref<32x5120xi32, #tpu.memory_space<hbm>>, %arg3: memref<10000384xf32, #tpu.memory_space<hbm>>, %arg4: memref<16384xf32, #tpu.memory_space<hbm>>, %arg5: memref<16384xf32, #tpu.memory_space<hbm>>, %arg6: memref<5120xi32, #tpu.memory_space<vmem>>, %arg7: memref<5120xf32, #tpu.memory_space<vmem>>, %arg8: memref<512xf32, #tpu.memory_space<vmem>>, %arg9: memref<512xf32, #tpu.memory_space<vmem>>, %arg10: memref<!tpu.dma_semaphore, #tpu.memory_space<semaphore_mem>>) attributes {dimension_semantics = [#tpu.dimension_semantics<core_parallel>, #tpu.dimension_semantics<subcore_parallel>], iteration_bounds = array<i64: 2, 16>, scalar_prefetch = 0 : i64, scratch_operands = 5 : i64, tpu.core_type = #tpu.core_type<sc_vector_subcore>, window_params = [{transform_indices = #map}, {transform_indices = #map1}, {transform_indices = #map1}, {transform_indices = #map1}]} {
    %mul3A = arith.constant 2 : i32
    %mul3A_0 = arith.muli %arg1, %mul3A : i32
    %add3A = arith.addi %mul3A_0, %arg0 : i32
    "tpu.trace_start"() <{level = 10 : i32, message = "dma_in2"}> : () -> ()
    %dma_start3A = arith.constant 0 : i32
    %dma_start3A_1 = tpu.memref_slice %arg2[%add3A, %dma_start3A] : memref<32x5120xi32, #tpu.memory_space<hbm>> -> memref<1x5120xi32, #tpu.memory_space<hbm>>
    %dma_start3A_2 = tpu.memref_squeeze %dma_start3A_1 : memref<1x5120xi32, #tpu.memory_space<hbm>> -> memref<5120xi32, #tpu.memory_space<hbm>>
    %dma_start3A_3 = arith.constant 0 : i32
    %dma_start3A_4 = tpu.memref_slice %arg2[%add3A, %dma_start3A_3] : memref<32x5120xi32, #tpu.memory_space<hbm>> -> memref<1x5120xi32, #tpu.memory_space<hbm>>
    %dma_start3A_5 = tpu.memref_squeeze %dma_start3A_4 : memref<1x5120xi32, #tpu.memory_space<hbm>> -> memref<5120xi32, #tpu.memory_space<hbm>>
    tpu.enqueue_dma source(%dma_start3A_5 : memref<5120xi32, #tpu.memory_space<hbm>>) target(%arg6 : memref<5120xi32, #tpu.memory_space<vmem>>) target_semaphore(%arg10 : memref<!tpu.dma_semaphore, #tpu.memory_space<semaphore_mem>>)
    %mul3A_6 = arith.constant 512 : i32
    %mul3A_7 = arith.muli %add3A, %mul3A_6 : i32
    %dma_start3A_8 = tpu.memref_slice %arg4[%mul3A_7] : memref<16384xf32, #tpu.memory_space<hbm>> -> memref<512xf32, #tpu.memory_space<hbm>>
    %dma_start3A_9 = tpu.memref_slice %arg4[%mul3A_7] : memref<16384xf32, #tpu.memory_space<hbm>> -> memref<512xf32, #tpu.memory_space<hbm>>
    tpu.enqueue_dma source(%dma_start3A_9 : memref<512xf32, #tpu.memory_space<hbm>>) target(%arg8 : memref<512xf32, #tpu.memory_space<vmem>>) target_semaphore(%arg10 : memref<!tpu.dma_semaphore, #tpu.memory_space<semaphore_mem>>)
    %dma_wait3A = arith.constant 0 : i32
    %dma_wait3A_10 = tpu.memref_slice %arg2[%add3A, %dma_wait3A] : memref<32x5120xi32, #tpu.memory_space<hbm>> -> memref<1x5120xi32, #tpu.memory_space<hbm>>
    %dma_wait3A_11 = tpu.memref_squeeze %dma_wait3A_10 : memref<1x5120xi32, #tpu.memory_space<hbm>> -> memref<5120xi32, #tpu.memory_space<hbm>>
    %dma_wait3A_12 = arith.constant 0 : i32
    %dma_wait3A_13 = tpu.memref_slice %arg2[%add3A, %dma_wait3A_12] : memref<32x5120xi32, #tpu.memory_space<hbm>> -> memref<1x5120xi32, #tpu.memory_space<hbm>>
    %dma_wait3A_14 = tpu.memref_squeeze %dma_wait3A_13 : memref<1x5120xi32, #tpu.memory_space<hbm>> -> memref<5120xi32, #tpu.memory_space<hbm>>
    tpu.wait_dma2 semaphore(%arg10 : memref<!tpu.dma_semaphore, #tpu.memory_space<semaphore_mem>>) src(%dma_wait3A_14 : memref<5120xi32, #tpu.memory_space<hbm>>) dst(%arg6 : memref<5120xi32, #tpu.memory_space<vmem>>)
    "tpu.trace_stop"() : () -> ()
    "tpu.trace_start"() <{level = 10 : i32, message = "gather2"}> : () -> ()
    %dma_start3A_15 = arith.constant 0 : i32
    %dma_start3A_16 = tpu.memref_slice %arg3[%dma_start3A_15] : memref<10000384xf32, #tpu.memory_space<hbm>> -> memref<10000384xf32, #tpu.memory_space<hbm>>
    tpu.enqueue_indirect_dma source(%dma_start3A_16 : memref<10000384xf32, #tpu.memory_space<hbm>>) target(%arg7 : memref<5120xf32, #tpu.memory_space<vmem>>) offsets(%arg6 : memref<5120xi32, #tpu.memory_space<vmem>>) semaphore(%arg10 : memref<!tpu.dma_semaphore, #tpu.memory_space<semaphore_mem>>)
    %dma_wait3A_17 = arith.constant 0 : i32
    %dma_wait3A_18 = tpu.memref_slice %arg3[%dma_wait3A_17] : memref<10000384xf32, #tpu.memory_space<hbm>> -> memref<10000384xf32, #tpu.memory_space<hbm>>
    tpu.wait_indirect_dma semaphore(%arg10 : memref<!tpu.dma_semaphore, #tpu.memory_space<semaphore_mem>>) src(%dma_wait3A_18 : memref<10000384xf32, #tpu.memory_space<hbm>>) dst(%arg7 : memref<5120xf32, #tpu.memory_space<vmem>>)
    %dma_wait3A_19 = tpu.memref_slice %arg4[%mul3A_7] : memref<16384xf32, #tpu.memory_space<hbm>> -> memref<512xf32, #tpu.memory_space<hbm>>
    %dma_wait3A_20 = tpu.memref_slice %arg4[%mul3A_7] : memref<16384xf32, #tpu.memory_space<hbm>> -> memref<512xf32, #tpu.memory_space<hbm>>
    tpu.wait_dma2 semaphore(%arg10 : memref<!tpu.dma_semaphore, #tpu.memory_space<semaphore_mem>>) src(%dma_wait3A_20 : memref<512xf32, #tpu.memory_space<hbm>>) dst(%arg8 : memref<512xf32, #tpu.memory_space<vmem>>)
    "tpu.trace_stop"() : () -> ()
    "tpu.trace_start"() <{level = 10 : i32, message = "reduce2"}> : () -> ()
    %scan3A = arith.constant 0 : i32
    %scan3A_21 = arith.constant 0 : i32
    %scan3A_22 = arith.constant 32 : i32
    %scan3A_23 = arith.addi %scan3A_21, %scan3A_22 : i32
    %scan3A_24 = arith.constant 1 : i32
    scf.for %scan3A_28 = %scan3A_21 to %scan3A_23 step %scan3A_24  : i32 {
      %mul3A_29 = arith.constant 16 : i32
      %mul3A_30 = arith.muli %scan3A_28, %mul3A_29 : i32
      %get3A = arith.index_cast %mul3A_30 : i32 to index
      %get3A_31 = tpu.vector_load %arg8[%get3A] {strides = array<i32>} : memref<512xf32, #tpu.memory_space<vmem>>, vector<16xf32>,
      %get3A_32 = vector.shape_cast %get3A_31 : vector<16xf32> to vector<16xf32>
      %add3A_33 = arith.constant 0 : i32
      %add3A_34 = arith.addi %add3A_33, %mul3A_30 : i32
      %get3A_35 = arith.index_cast %add3A_34 : i32 to index
      %get3A_36 = tpu.vector_load %arg7[%get3A_35] {strides = array<i32>} : memref<5120xf32, #tpu.memory_space<vmem>>, vector<16xf32>,
      %get3A_37 = vector.shape_cast %get3A_36 : vector<16xf32> to vector<16xf32>
      %add3A_38 = arith.addf %get3A_32, %get3A_37 : vector<16xf32>
      %add3A_39 = arith.constant 512 : i32
      %add3A_40 = arith.addi %add3A_39, %mul3A_30 : i32
      %get3A_41 = arith.index_cast %add3A_40 : i32 to index
      %get3A_42 = tpu.vector_load %arg7[%get3A_41] {strides = array<i32>} : memref<5120xf32, #tpu.memory_space<vmem>>, vector<16xf32>,
      %get3A_43 = vector.shape_cast %get3A_42 : vector<16xf32> to vector<16xf32>
      %add3A_44 = arith.addf %add3A_38, %get3A_43 : vector<16xf32>
      %add3A_45 = arith.constant 1024 : i32
      %add3A_46 = arith.addi %add3A_45, %mul3A_30 : i32
      %get3A_47 = arith.index_cast %add3A_46 : i32 to index
      %get3A_48 = tpu.vector_load %arg7[%get3A_47] {strides = array<i32>} : memref<5120xf32, #tpu.memory_space<vmem>>, vector<16xf32>,
      %get3A_49 = vector.shape_cast %get3A_48 : vector<16xf32> to vector<16xf32>
      %add3A_50 = arith.addf %add3A_44, %get3A_49 : vector<16xf32>
      %add3A_51 = arith.constant 1536 : i32
      %add3A_52 = arith.addi %add3A_51, %mul3A_30 : i32
      %get3A_53 = arith.index_cast %add3A_52 : i32 to index
      %get3A_54 = tpu.vector_load %arg7[%get3A_53] {strides = array<i32>} : memref<5120xf32, #tpu.memory_space<vmem>>, vector<16xf32>,
      %get3A_55 = vector.shape_cast %get3A_54 : vector<16xf32> to vector<16xf32>
      %add3A_56 = arith.addf %add3A_50, %get3A_55 : vector<16xf32>
      %add3A_57 = arith.constant 2048 : i32
      %add3A_58 = arith.addi %add3A_57, %mul3A_30 : i32
      %get3A_59 = arith.index_cast %add3A_58 : i32 to index
      %get3A_60 = tpu.vector_load %arg7[%get3A_59] {strides = array<i32>} : memref<5120xf32, #tpu.memory_space<vmem>>, vector<16xf32>,
      %get3A_61 = vector.shape_cast %get3A_60 : vector<16xf32> to vector<16xf32>
      %add3A_62 = arith.addf %add3A_56, %get3A_61 : vector<16xf32>
      %add3A_63 = arith.constant 2560 : i32
      %add3A_64 = arith.addi %add3A_63, %mul3A_30 : i32
      %get3A_65 = arith.index_cast %add3A_64 : i32 to index
      %get3A_66 = tpu.vector_load %arg7[%get3A_65] {strides = array<i32>} : memref<5120xf32, #tpu.memory_space<vmem>>, vector<16xf32>,
      %get3A_67 = vector.shape_cast %get3A_66 : vector<16xf32> to vector<16xf32>
      %add3A_68 = arith.addf %add3A_62, %get3A_67 : vector<16xf32>
      %add3A_69 = arith.constant 3072 : i32
      %add3A_70 = arith.addi %add3A_69, %mul3A_30 : i32
      %get3A_71 = arith.index_cast %add3A_70 : i32 to index
      %get3A_72 = tpu.vector_load %arg7[%get3A_71] {strides = array<i32>} : memref<5120xf32, #tpu.memory_space<vmem>>, vector<16xf32>,
      %get3A_73 = vector.shape_cast %get3A_72 : vector<16xf32> to vector<16xf32>
      %add3A_74 = arith.addf %add3A_68, %get3A_73 : vector<16xf32>
      %add3A_75 = arith.constant 3584 : i32
      %add3A_76 = arith.addi %add3A_75, %mul3A_30 : i32
      %get3A_77 = arith.index_cast %add3A_76 : i32 to index
      %get3A_78 = tpu.vector_load %arg7[%get3A_77] {strides = array<i32>} : memref<5120xf32, #tpu.memory_space<vmem>>, vector<16xf32>,
      %get3A_79 = vector.shape_cast %get3A_78 : vector<16xf32> to vector<16xf32>
      %add3A_80 = arith.addf %add3A_74, %get3A_79 : vector<16xf32>
      %add3A_81 = arith.constant 4096 : i32
      %add3A_82 = arith.addi %add3A_81, %mul3A_30 : i32
      %get3A_83 = arith.index_cast %add3A_82 : i32 to index
      %get3A_84 = tpu.vector_load %arg7[%get3A_83] {strides = array<i32>} : memref<5120xf32, #tpu.memory_space<vmem>>, vector<16xf32>,
      %get3A_85 = vector.shape_cast %get3A_84 : vector<16xf32> to vector<16xf32>
      %add3A_86 = arith.addf %add3A_80, %get3A_85 : vector<16xf32>
      %add3A_87 = arith.constant 4608 : i32
      %add3A_88 = arith.addi %add3A_87, %mul3A_30 : i32
      %get3A_89 = arith.index_cast %add3A_88 : i32 to index
      %get3A_90 = tpu.vector_load %arg7[%get3A_89] {strides = array<i32>} : memref<5120xf32, #tpu.memory_space<vmem>>, vector<16xf32>,
      %get3A_91 = vector.shape_cast %get3A_90 : vector<16xf32> to vector<16xf32>
      %add3A_92 = arith.addf %add3A_86, %get3A_91 : vector<16xf32>
      %swap3A = arith.index_cast %mul3A_30 : i32 to index
      %swap3A_93 = tpu.vector_load %arg9[%swap3A] {strides = array<i32>} : memref<512xf32, #tpu.memory_space<vmem>>, vector<16xf32>,
      %swap3A_94 = vector.shape_cast %swap3A_93 : vector<16xf32> to vector<16xf32>
      %swap3A_95 = vector.shape_cast %add3A_92 : vector<16xf32> to vector<16xf32>
      tpu.vector_store %arg9[%swap3A], %swap3A_95 {strides = array<i32>} : memref<512xf32, #tpu.memory_space<vmem>>, vector<16xf32>,
    }
    %scan3A_25 = arith.constant 32 : i32
    "tpu.trace_stop"() : () -> ()
    "tpu.trace_start"() <{level = 10 : i32, message = "dma_out2"}> : () -> ()
    %mul3A_26 = arith.constant 512 : i32
    %mul3A_27 = arith.muli %add3A, %mul3A_26 : i32
    "tpu.region"() ({
      %run_scoped3A = tpu.sem_alloc : memref<!tpu.dma_semaphore, #tpu.memory_space<semaphore_mem>>
      %dma_start3A_28 = tpu.memref_slice %arg5[%mul3A_27] : memref<16384xf32, #tpu.memory_space<hbm>> -> memref<512xf32, #tpu.memory_space<hbm>>
      %dma_start3A_29 = tpu.memref_slice %arg5[%mul3A_27] : memref<16384xf32, #tpu.memory_space<hbm>> -> memref<512xf32, #tpu.memory_space<hbm>>
      tpu.enqueue_dma source(%arg9 : memref<512xf32, #tpu.memory_space<vmem>>) target(%dma_start3A_29 : memref<512xf32, #tpu.memory_space<hbm>>) target_semaphore(%run_scoped3A : memref<!tpu.dma_semaphore, #tpu.memory_space<semaphore_mem>>)
      %dma_wait3A_30 = tpu.memref_slice %arg5[%mul3A_27] : memref<16384xf32, #tpu.memory_space<hbm>> -> memref<512xf32, #tpu.memory_space<hbm>>
      %dma_wait3A_31 = tpu.memref_slice %arg5[%mul3A_27] : memref<16384xf32, #tpu.memory_space<hbm>> -> memref<512xf32, #tpu.memory_space<hbm>>
      tpu.wait_dma2 semaphore(%run_scoped3A : memref<!tpu.dma_semaphore, #tpu.memory_space<semaphore_mem>>) src(%arg9 : memref<512xf32, #tpu.memory_space<vmem>>) dst(%dma_wait3A_31 : memref<512xf32, #tpu.memory_space<hbm>>)
      tpu.yield
    }) : () -> ()
    "tpu.trace_stop"() : () -> ()
    return
  }
}

</mosaic_0001>

<sc_bundles>
// kernel: kernel.4.cloned.1.call-start
scs
__scs_entry_jumppad:
0x0: {  	(pc) =	sbr.rel $0x88, $3  }
0x1: {  	(tag) =	ssettag $0x0;
	lr =	simm.s32 $0x1  }
0x2: {  	[smem:$0x3F9D] =	sst lr;
	_ =	strace $0xD0000000  }
0x3: {  	_ = 	snop  }
0x4: {  	_ = 	snop  }
0x5: {  	_ = 	snop  }
0x6: {  	_ = 	snop  }
0x7: {  	_ = 	snop  }
__scs_overlays_trampoline_lowered:
0x8: {  	[smem:$0x3FAC] =	sst s0  }
0x9: {  	[smem:$0x3FAD] =	sst s1  }
0xa: {  	[smem:$0x3FAE] =	sst s2  }
0xb: {  	[smem:$0x3FAF] =	sst s3  }
0xc: {  	[smem:$0x3FB0] =	sst s4  }
0xd: {  	[smem:$0x3FB1] =	sst s5  }
0xe: {  	[smem:$0x3FB2] =	sst s6  }
0xf: {  	[smem:$0x3FB3] =	sst s7  }
0x10: {  	[smem:$0x3FB4] =	sst s8  }
0x11: {  	[smem:$0x3FB5] =	sst s9;
	s0 =	simm.s32 @!p0 $0x0  }
0x12: {  	s1 =	sld [smem:$0x3F9B];
	s0 =	simm.s32 @p0 $0x1  }
0x13: {  	[smem:$0x3FB6] =	sst s0;
	s0 =	simm.s32 @!p1 $0x0  }
0x14: {  	s2 =	sld [smem:$0x3F9A];
	s0 =	simm.s32 @p1 $0x1  }
0x15: {  	[smem:$0x3FB7] =	sst s0;
	s0 =	simm.s32 @!p2 $0x0  }
0x16: {  	s3 =	sld [smem:$0x3FDB];
	s0 =	simm.s32 @p2 $0x1  }
0x17: {  	s4 =	simm.s32 $0x1BF5;
	[smem:$0x3FB9] =	sst s0  }
0x18: {  	s0 =	sld [smem:$0x3F9C];
	_ =	swait.ge [sflag:s4], $0x0  }
0x19: {  	s7 =	sld [smem:$0x3F9D]  }
0x1a: {  	s8 =	sadd.s32 $0xFFFFE003, lr  }
0x1b: {  	s9 =	sadd.s32 $0xFFFFFEF7, lr;
	s5 =	simm.s32 $0xFFFFFFFF;
	p2 =	slt.u32 s8, $0xFFFFF086  }
0x1c: {  	p1 =	slt.u32 s9, $0xF7A;
	s5 =	simm.s32 @!p2 $0x0  }
0x1d: {  	s5 =	simm.s32 @p1 $0x1;
	p0 =	seq.s32 s7, s2  }
0x1e: {  	s7 =	smul.u32 @!p0 $0xF7A, s2;
	p2 =	seq.s32 @!p0 s5, $0x0  }
0x1f: {  	s9 =	smul.u32 $0xF7A, s1;
	s8 =	simm.s32 @!p0 $0x1BF5;
	p2 =	por !p2, p0  }
0x20: {  	[sflag:s8] =	ssyncset.s32 @!p0 $0xFFFFF086;
	s6 =	sadd.s32 @!p0 s3, s7;
	s7 =	simm.s32 @!p0 $0x108  }
0x21: {  	s3 =	sadd.s32 s3, s9;
	s6 =	sadd.s32 @!p0 $0x88, s6;
	s7 =	simm.s32 @p2 $0x1082  }
0x22: {  	[simem:s7], [sflag:s8] =	dma.local @!p0 [hbm:s6], $0xF7A  }
0x23: {  	s9 =	sor.u32 $0xD0000000, s2;
	s6 =	simm.s32 $0x108;
	_ =	swait.ge @!p0 [sflag:s8], $0x0  }
0x24: {  	s3 =	sadd.s32 $0x88, s3;
	s6 =	simm.s32 @!p1 $0x1082;
	[sflag:s4] =	ssyncset.s32 $0xFFFFF086  }
0x25: {  	[simem:s6], [sflag:s4] =	dma.local [hbm:s3], $0xF7A  }
0x26: {  	[smem:$0x3F9D] =	sst s1;
	(tag) =	ssettag s2;
	_ =	strace s9  }
0x27: {  	s1 =	sld [smem:$0x3FAD]  }
0x28: {  	s2 =	sld [smem:$0x3FAE]  }
0x29: {  	s4 =	sld [smem:$0x3FB0]  }
0x2a: {  	p0 =	seq.s32 s5, $0x0;
	s5 =	sld [smem:$0x3FB1]  }
0x2b: {  	s6 =	sld [smem:$0x3FB2]  }
0x2c: {  	s7 =	sld [smem:$0x3FB3]  }
0x2d: {  	s3 =	simm.s32 $0x108;
	s8 =	sld [smem:$0x3FB4]  }
0x2e: {  	s3 =	simm.s32 @!p0 $0x1082;
	s9 =	sld [smem:$0x3FB5]  }
0x2f: {  	lr =	sadd.s32 s0, s3;
	s0 =	sld [smem:$0x3FAC]  }
0x30: {  	s3 =	sld [smem:$0x3FAF]  }
0x31: {  	[smem:$0x3FB8] =	sst s10  }
0x32: {  	s10 =	sld [smem:$0x3FB6];
	_ =	sdelay $0x3  }
0x33: {  	p0 =	seq.s32 s10, $0x1;
	s10 =	sld [smem:$0x3FB8];
	_ =	sdelay $0x3  }
0x34: {  	[smem:$0x3FB8] =	sst s10  }
0x35: {  	s10 =	sld [smem:$0x3FB7];
	_ =	sdelay $0x3  }
0x36: {  	p1 =	seq.s32 s10, $0x1;
	s10 =	sld [smem:$0x3FB8];
	_ =	sdelay $0x3  }
0x37: {  	[smem:$0x3FB8] =	sst s10  }
0x38: {  	s10 =	sld [smem:$0x3FB9]  }
0x39: {  	_ = 	snop;
	(pc) =	sbr.ind lr, $3  }
0x3a: {  	_ = 	snop  }
0x3b: {  	_ = 	snop  }
0x3c: {  	p2 =	seq.s32 s10, $0x1;
	s10 =	sld [smem:$0x3FB8]  }
0x3d: {  	_ =	shalt  }
0x3e: {  	_ =	shalt  }
0x3f: {  	_ =	shalt  }
0x40: {  	_ =	shalt  }
0x41: {  	_ =	shalt  }
0x42: {  	_ =	shalt  }
0x43: {  	_ =	shalt  }
0x44: {  	_ =	shalt  }
0x45: {  	_ =	shalt  }
0x46: {  	_ =	shalt  }
0x47: {  	_ =	shalt  }
0x48: {  	_ =	shalt  }
0x49: {  	_ =	shalt  }
0x4a: {  	_ =	shalt  }
0x4b: {  	_ =	shalt  }
0x4c: {  	_ =	shalt  }
0x4d: {  	_ =	shalt  }
0x4e: {  	_ =	shalt  }
0x4f: {  	_ =	shalt  }
0x50: {  	_ =	shalt  }
0x51: {  	_ =	shalt  }
0x52: {  	_ =	shalt  }
0x53: {  	_ =	shalt  }
0x54: {  	_ =	shalt  }
0x55: {  	_ =	shalt  }
0x56: {  	_ =	shalt  }
0x57: {  	_ =	shalt  }
0x58: {  	_ =	shalt  }
0x59: {  	_ =	shalt  }
0x5a: {  	_ =	shalt  }
0x5b: {  	_ =	shalt  }
0x5c: {  	_ =	shalt  }
0x5d: {  	_ =	shalt  }
0x5e: {  	_ =	shalt  }
0x5f: {  	_ =	shalt  }
0x60: {  	_ =	shalt  }
0x61: {  	_ =	shalt  }
0x62: {  	_ =	shalt  }
0x63: {  	_ =	shalt  }
0x64: {  	_ =	shalt  }
0x65: {  	_ =	shalt  }
0x66: {  	_ =	shalt  }
0x67: {  	_ =	shalt  }
0x68: {  	_ =	shalt  }
0x69: {  	_ =	shalt  }
0x6a: {  	_ =	shalt  }
0x6b: {  	_ =	shalt  }
0x6c: {  	_ =	shalt  }
0x6d: {  	_ =	shalt  }
0x6e: {  	_ =	shalt  }
0x6f: {  	_ =	shalt  }
0x70: {  	_ =	shalt  }
0x71: {  	_ =	shalt  }
0x72: {  	_ =	shalt  }
0x73: {  	_ =	shalt  }
0x74: {  	_ =	shalt  }
0x75: {  	_ =	shalt  }
0x76: {  	_ =	shalt  }
0x77: {  	_ =	shalt  }
0x78: {  	_ =	shalt  }
0x79: {  	_ =	shalt  }
0x7a: {  	_ =	shalt  }
0x7b: {  	_ =	shalt  }
0x7c: {  	_ =	shalt  }
0x7d: {  	_ =	shalt  }
0x7e: {  	_ =	shalt  }
0x7f: {  	_ =	shalt  }
0x80: {  	_ =	shalt  }
0x81: {  	_ =	shalt  }
0x82: {  	_ =	shalt  }
0x83: {  	_ =	shalt  }
0x84: {  	_ =	shalt  }
0x85: {  	_ =	shalt  }
0x86: {  	_ =	shalt  }
0x87: {  	_ =	shalt  }
.Lfunc_end0:
.L_simem_size_0:
called_computation_lowered:
.L_overlay_start_0:
0x88: {  	s2 =	sld [smem:$0x3FD9]  }
0x89: {  	s3 =	sld [smem:$0x3FFE];
	_ =	sdelay $0x1  }
0x8a: {  	s1 =	srdreg.scid  }
0x8b: {  	s0 =	sand.u32 $0x1, s1  }
0x8c: {  	s17 =	sshll.u32 s0, $0xA;
	s2 =	sadd.s32 s3, s2  }
0x8d: {  	s2 =	sadd.s32 s2, s17  }
0x8e: {  	[smem:$0x3FC4] =	sst s2  }
0x8f: {  	_ = 	snop  }
0x90: {  	s2 =	sld [smem:$0x3FC9]  }
0x91: {  	s18 =	sld [smem:$0x3FD0];
	(tm) =	ssettm $0x1  }
0x92: {  	s4 =	sld [smem:$0x3FFB];
	_ =	sdelay $0x3  }
0x93: {  	_ =	strace s4  }
0x94: {  	s4 =	sld [smem:$0x3FFC];
	_ =	sdelay $0x3  }
0x95: {  	_ =	strace s4  }
0x96: {  	s4 =	sld [smem:$0x3FFD];
	_ =	sdelay $0x3  }
0x97: {  	_ =	strace s4  }
0x98: {  	_ =	strace $0x8FFFFFFF  }
0x99: {  	s19 =	sld [smem:$0x3FDB];
	_ =	sdelay $0x1  }
0x9a: {  	s5 =	simm.s32 $_scs_section_size  }
0x9b: {  	s6 =	simm.s32 $_size__tile_overlayer_lowered;
	s7 =	simm.s32 $_tile_overlayer_lowered  }
0x9c: {  	s22 =	simm.s32 $0x1BFF;
	s21 =	sshll.u32 s7, $0x1;
	s4 =	sadd.s32 s5, s19  }
0x9d: {  	s8 =	simm.s32 $0x0;
	s20 =	sshll.u32 s6, $0x1;
	s6 =	sadd.s32 s21, s4  }
0x9e: {  	[timem:s8], [sflag:s22] =	dma.local [hbm:s6], s20  }
0x9f: {  	_ =	swait.ge [sflag:s22], s20  }
0xa0: {  	s5 =	ssub.s32 $0x0, s20;
	[sflag:s22] =	ssyncset.done $0x0  }
0xa1: {  	[sflag:s22] =	ssyncadd.s32 s5;
	_ =	sdelay $0x1  }
0xa2: {  	s23 =	simm.s32 $0x1B8B  }
0xa3: {  	_ =	swait.ge [sflag:s23], $0x1  }
0xa4: {  	[sflag:s23] =	ssyncset.done $0x0  }
0xa5: {  	s25 =	simm.s32 $0x1B8E;
	s24 =	sld [smem:$0x3FFE];
	[sflag:s23] =	ssyncadd.s32 $0xFFFFFFFF  }
0xa6: {  	s26 =	simm.s32 $execute0_lowered;
	[smem:$0x3FD2] =	sst s25  }
0xa7: {  	s6 =	sshll.u32 s26, $0x1;
	_ =	strace $0x80000046;
	[dreg:$0x1] =	wrdreg $0xFFFFFFFF  }
0xa8: {  	s28 =	simm.s32 $_size_execute0_lowered;
	s4 =	sadd.s32 s4, s6;
	[dreg:$0x0] =	wrdreg $0x0  }
0xa9: {  	s6 =	sshll.u32 s28, $0x1;
	[dreg:$0x2] =	wrdreg s4  }
0xaa: {  	[dreg:$0x3] =	wrdreg s6  }
0xab: {  	[dreg:$0x4] =	wrdreg $0xC0  }
0xac: {  	_ =	task [dreg:s8], $0x5FFFF  }
0xad: {  	[dreg:$0x1] =	wrdreg $0xFFFFFFFF  }
0xae: {  	[dreg:$0x0] =	wrdreg $0x60  }
0xaf: {  	[dreg:$0x2] =	wrdreg s2  }
0xb0: {  	[dreg:$0x3] =	wrdreg s18  }
0xb1: {  	[dreg:$0x4] =	wrdreg s24  }
0xb2: {  	[dreg:$0x5] =	wrdreg $0x9  }
0xb3: {  	_ =	task.clear_ibuf [dreg:s8], $0x6FFFF;
	_ =	strace $0x90000046  }
0xb4: {  	s29 =	simm.s32 $0x9;
	_ =	strace $0x8000004D  }
0xb5: {  	_ =	swait.ge [sflag:s29], $0x1  }
0xb6: {  	[sflag:s29] =	ssyncadd.s32 $0xFFFFFFFF  }
0xb7: {  	_ =	strace $0x9000004D  }
0xb8: {  	_ =	sfence  }
0xb9: {  	s30 =	sld [smem:$0x0];
	_ =	sdelay $0x2  }
0xba: {  	s31 =	sshll.u32 s1, $0xD;
	s1 =	sshrl.u32 s1, $0x2  }
0xbb: {  	s3 =	sand.u32 $0x4000, s31;
	s1 =	sadd.s32 s1, s30  }
0xbc: {  	s0 =	sor.u32 s3, s0;
	s1 =	sshll.u32 s1, $0x11  }
0xbd: {  	s0 =	sor.u32 s1, s0  }
0xbe: {  	s0 =	sadd.s32 $0x8F2B, s0  }
0xbf: {  	[sflag:s0] =	ssyncadd.remote.s32 $0x1  }
0xc0: {  	_ =	sfence.sel $0xFFFF  }
0xc1: {  	[dreg:$0x0] =	wrdreg $0xFFFFFFFF;
	(pc) =	sbr.abs _section_cstart, $3  }
0xc2: {  	[dreg:$0x1] =	wrdreg $0xFFFFFFFF  }
0xc3: {  	_ =	task.clear_ibuf [dreg:s8], $0x2FFFF;
	_ =	strace $0x9FFFFFFF  }
0xc4: {  	(tm) =	ssettm $0x7FFFFFFF  }
0xc5: {  	_ =	shalt  }
tec
execute0_lowered:
.L_overlay_start_1:
0x0: {  	(tag) =	ssettag $0x1  }
0x1: {  	s6 =	rddreg [dreg:$0x0]  }
0x2: {  	s2 =	rddreg [dreg:$0x1]  }
0x3: {  	s7 =	rddreg [dreg:$0x2]  }
0x4: {  	s3 =	srdreg.scid;
	s1 =	stileid.u32  }
0x5: {  	s0 =	rddreg [dreg:$0x3];
	s13 =	simm.s32 $0x9600;
	s14 =	simm.s32 $0x1  }
0x6: {  	s15 =	simm.s32 $0x80;
	s16 =	simm.s32 $0x400;
	s17 =	simm.s32 $0x6000  }
0x7: {  	s18 =	simm.s32 $0x2000;
	s19 =	simm.s32 $0x4000;
	s20 =	simm.s32 $0x9680  }
0x8: {  	s21 =	simm.s32 $0x2;
	s22 =	simm.s32 $0x0;
	s8 =	sand.u32 $0x1, s3  }
0x9: {  	s4 =	sshll.u32 s1, $0x1;
	s3 =	simm.s32 $0x0;
	s29 =	sshrl.u32 s1, $0x2  }
0xa: {  	s9 =	sor.u32 s8, s4;
	[smem:$0x7FF] =	sst s3;
	s10 =	smul.u32 $0xA000, s29  }
0xb: {  	s4 =	sadd.s32 $0xE00, s7;
	s8 =	ssub.s32 $0x2, s8;
	s5 =	sshll.u32 s9, $0x7  }
0xc: {  	_ =	strace $0x80000047;
	s12 =	sshll.u32 s9, $0x6;
	s31 =	sshrl.u32 s8, $0x1  }
0xd: {  	s9 =	sshll.u32 s9, $0x9;
	s11 =	sand.u32 $0x380, s5;
	s5 =	sadd.s32 $0x1E9400, s7  }
0xe: {  	s30 =	sadd.s32 s12, s7;
	s6 =	sadd.s32 s6, s9;
	s10 =	sor.u32 s10, s11  }
0xf: {  	s12 =	simm.s32 $0x7400;
	s11 =	simm.s32 $0x20000;
	s10 =	sshrl.u32 s10, $0x3  }
0x10: {  	s7 =	sadd.s32 s10, s7;
	s10 =	ssub.s32 s8, s31;
	s8 =	sadd.s32 $0x1E9600, s30  }
0x11: {  	s7 =	sadd.s32 $0x1E9E00, s7;
	s9 =	smax.u32 s10, $0x1;
	s10 =	simm.s32 $0x1000  }
.LBB2_1:
0x12: {  	_ =	strace $0x80000048  }
0x13: {  	[tilespmem:s3], [sflag:$0x1] =	stream.strided.gather [hbm4b:s6+s10], $0x4000, s11, s10, $0x200038;
	[tilespmem:$0x9880] =	vst v63  }
0x14: {  	_ = 	snop  }
0x15: {  	[tilespmem:s12], [sflag:$0x1] =	stream.linear.gather [hbm4b:s2+s3], $0x200, $0x200038;
	[tilespmem:$0x9880] =	vst v63  }
0x16: {  	_ = 	snop  }
0x17: {  	[tilespmem:s13], [sflag:$0x1] =	stream.linear.gather [hbm4b:s5+s3], $0x80, $0x200038;
	[tilespmem:$0x9880] =	vst v63  }
0x18: {  	_ =	swait.ge [sflag:s14], $0x4000  }
0x19: {  	[sflag:s14] =	ssyncset.done $0x0  }
0x1a: {  	[sflag:s14] =	ssyncadd.s32 $0xFFFFC000  }
0x1b: {  	_ =	swait.ge [sflag:s14], $0x200  }
0x1c: {  	[sflag:s14] =	ssyncset.done $0x0  }
0x1d: {  	[sflag:s14] =	ssyncadd.s32 $0xFFFFFE00  }
0x1e: {  	_ =	swait.ge [sflag:s14], $0x80  }
0x1f: {  	[sflag:s14] =	ssyncset.done $0x0  }
0x20: {  	[sflag:s14] =	ssyncadd.s32 $0xFFFFFF80  }
0x21: {  	_ =	strace $0x90000048  }
0x22: {  	v15 =	vld [tilespmem:$0x7400]  }
0x23: {  	v14 =	vld [tilespmem:$0x7410]  }
0x24: {  	v13 =	vld [tilespmem:$0x7420]  }
0x25: {  	v12 =	vld [tilespmem:$0x7430]  }
0x26: {  	v11 =	vld [tilespmem:$0x7440]  }
0x27: {  	v10 =	vld [tilespmem:$0x7450]  }
0x28: {  	v9 =	vld [tilespmem:$0x7460]  }
0x29: {  	v8 =	vld [tilespmem:$0x7470]  }
0x2a: {  	v7 =	vld [tilespmem:$0x7480]  }
0x2b: {  	v6 =	vld [tilespmem:$0x7490]  }
0x2c: {  	v5 =	vld [tilespmem:$0x74A0]  }
0x2d: {  	v4 =	vld [tilespmem:$0x74B0]  }
0x2e: {  	v3 =	vld [tilespmem:$0x74C0]  }
0x2f: {  	v2 =	vld [tilespmem:$0x74D0]  }
0x30: {  	v1 =	vld [tilespmem:$0x74E0]  }
0x31: {  	v0 =	vld [tilespmem:$0x74F0]  }
0x32: {  	v16 =	vld [tilespmem:$0x7500]  }
0x33: {  	v17 =	vld [tilespmem:$0x7510]  }
0x34: {  	v18 =	vld [tilespmem:$0x7520]  }
0x35: {  	v19 =	vld [tilespmem:$0x7530]  }
0x36: {  	v20 =	vld [tilespmem:$0x7540]  }
0x37: {  	v21 =	vld [tilespmem:$0x7550]  }
0x38: {  	v22 =	vld [tilespmem:$0x7560]  }
0x39: {  	v23 =	vld [tilespmem:$0x7570]  }
0x3a: {  	s23 =	sand.u32 $0x70, s3;
	s24 =	sand.u32 $0xC00, s3;
	v24 =	vld [tilespmem:$0x7580]  }
0x3b: {  	s24 =	sor.u32 s23, s24;
	v25 =	vld [tilespmem:$0x7590];
	_ =	strace $0x80000049  }
0x3c: {  	v26 =	vld [tilespmem:s24+$0x0];
	_ =	sdelay $0x4  }
0x3d: {  	s26 =	simm.s32 $0x4A00;
	v26 =	vadd.s32 v15, v26  }
0x3e: {  	[tilespmem:s26+$0xFFFFF600] =	vst v26  }
0x3f: {  	v26 =	vld [tilespmem:s24+$0x80];
	_ =	sdelay $0x4  }
0x40: {  	v26 =	vadd.s32 v14, v26  }
0x41: {  	[tilespmem:s26+$0xFFFFF800] =	vst v26  }
0x42: {  	v26 =	vld [tilespmem:s24+$0x100];
	_ =	sdelay $0x4  }
0x43: {  	v26 =	vadd.s32 v13, v26  }
0x44: {  	[tilespmem:s26+$0xFFFFFA00] =	vst v26  }
0x45: {  	v26 =	vld [tilespmem:s24+$0x180];
	_ =	sdelay $0x4  }
0x46: {  	v26 =	vadd.s32 v12, v26  }
0x47: {  	[tilespmem:s26+$0xFFFFFC00] =	vst v26  }
0x48: {  	v26 =	vld [tilespmem:s24+$0x200];
	_ =	sdelay $0x4  }
0x49: {  	v26 =	vadd.s32 v11, v26  }
0x4a: {  	[tilespmem:s26+$0xFFFFFE00] =	vst v26  }
0x4b: {  	v26 =	vld [tilespmem:s24+$0x280];
	_ =	sdelay $0x4  }
0x4c: {  	v26 =	vadd.s32 v10, v26  }
0x4d: {  	[tilespmem:s26+$0x0] =	vst v26  }
0x4e: {  	v26 =	vld [tilespmem:s24+$0x300];
	_ =	sdelay $0x4  }
0x4f: {  	s25 =	sor.u32 s3, s3;
	v26 =	vadd.s32 v9, v26  }
0x50: {  	s25 =	sor.u32 $0x380, s25;
	[tilespmem:s26+$0x200] =	vst v26  }
0x51: {  	v26 =	vld [tilespmem:s25+$0x0];
	_ =	sdelay $0x4  }
0x52: {  	v26 =	vadd.s32 v8, v26  }
0x53: {  	[tilespmem:s26+$0x400] =	vst v26  }
0x54: {  	v26 =	vld [tilespmem:s24+$0x1000];
	_ =	sdelay $0x4  }
0x55: {  	v26 =	vadd.s32 v7, v26  }
0x56: {  	[tilespmem:s26+$0x600] =	vst v26  }
0x57: {  	v26 =	vld [tilespmem:s24+$0x1080];
	_ =	sdelay $0x4  }
0x58: {  	v26 =	vadd.s32 v6, v26  }
0x59: {  	[tilespmem:s26+$0x800] =	vst v26  }
0x5a: {  	v26 =	vld [tilespmem:s24+$0x1100];
	_ =	sdelay $0x4  }
0x5b: {  	s28 =	sand.u32 $0x1F0, s3;
	v26 =	vadd.s32 v5, v26  }
0x5c: {  	[tilespmem:s28+$0x5400] =	vst v26  }
0x5d: {  	v26 =	vld [tilespmem:s24+$0x1180];
	_ =	sdelay $0x4  }
0x5e: {  	v26 =	vadd.s32 v4, v26  }
0x5f: {  	[tilespmem:s28+$0x5600] =	vst v26  }
0x60: {  	v26 =	vld [tilespmem:s24+$0x1200];
	_ =	sdelay $0x4  }
0x61: {  	v26 =	vadd.s32 v3, v26  }
0x62: {  	[tilespmem:s28+$0x5800] =	vst v26  }
0x63: {  	v26 =	vld [tilespmem:s24+$0x1280];
	_ =	sdelay $0x4  }
0x64: {  	v26 =	vadd.s32 v2, v26  }
0x65: {  	[tilespmem:s28+$0x5A00] =	vst v26  }
0x66: {  	v26 =	vld [tilespmem:s24+$0x1300];
	_ =	sdelay $0x4  }
0x67: {  	v26 =	vadd.s32 v1, v26  }
0x68: {  	[tilespmem:s28+$0x5C00] =	vst v26  }
0x69: {  	v26 =	vld [tilespmem:s24+$0x1380];
	_ =	sdelay $0x4  }
0x6a: {  	v26 =	vadd.s32 v0, v26  }
0x6b: {  	[tilespmem:s28+$0x5E00] =	vst v26  }
0x6c: {  	v26 =	vld [tilespmem:s24+$0x2000];
	_ =	sdelay $0x3  }
0x6d: {  	v16 =	vadd.s32 $0xFF0BDD80, v16  }
0x6e: {  	s23 =	simm.s32 $0x6A00;
	v26 =	vadd.s32 v26, v16  }
0x6f: {  	[tilespmem:s23+$0xFFFFF600] =	vst v26  }
0x70: {  	v26 =	vld [tilespmem:s24+$0x2080];
	_ =	sdelay $0x3  }
0x71: {  	v17 =	vadd.s32 $0xFF0BDD80, v17  }
0x72: {  	v26 =	vadd.s32 v26, v17  }
0x73: {  	[tilespmem:s23+$0xFFFFF800] =	vst v26  }
0x74: {  	v26 =	vld [tilespmem:s24+$0x2100];
	_ =	sdelay $0x3  }
0x75: {  	v18 =	vadd.s32 $0xFF0BDD80, v18  }
0x76: {  	v26 =	vadd.s32 v26, v18  }
0x77: {  	[tilespmem:s23+$0xFFFFFA00] =	vst v26  }
0x78: {  	v26 =	vld [tilespmem:s24+$0x2180];
	_ =	sdelay $0x3  }
0x79: {  	v19 =	vadd.s32 $0xFF0BDD80, v19  }
0x7a: {  	v26 =	vadd.s32 v26, v19  }
0x7b: {  	[tilespmem:s23+$0xFFFFFC00] =	vst v26  }
0x7c: {  	v26 =	vld [tilespmem:s24+$0x2200];
	_ =	sdelay $0x3  }
0x7d: {  	v20 =	vadd.s32 $0xFF0BDD80, v20  }
0x7e: {  	v26 =	vadd.s32 v26, v20  }
0x7f: {  	[tilespmem:s23+$0xFFFFFE00] =	vst v26  }
0x80: {  	v26 =	vld [tilespmem:s24+$0x2280];
	_ =	sdelay $0x3  }
0x81: {  	v21 =	vadd.s32 $0xFF0BDD80, v21  }
0x82: {  	v26 =	vadd.s32 v26, v21  }
0x83: {  	[tilespmem:s23+$0x0] =	vst v26  }
0x84: {  	v26 =	vld [tilespmem:s24+$0x2300];
	_ =	sdelay $0x3  }
0x85: {  	v22 =	vadd.s32 $0xFF0BDD80, v22  }
0x86: {  	v26 =	vadd.s32 v26, v22  }
0x87: {  	[tilespmem:s23+$0x200] =	vst v26  }
0x88: {  	v26 =	vld [tilespmem:s24+$0x2380];
	_ =	sdelay $0x3  }
0x89: {  	v23 =	vadd.s32 $0xFF0BDD80, v23  }
0x8a: {  	v26 =	vadd.s32 v26, v23  }
0x8b: {  	[tilespmem:s23+$0x400] =	vst v26  }
0x8c: {  	v26 =	vld [tilespmem:s24+$0x3000];
	_ =	sdelay $0x3  }
0x8d: {  	v24 =	vadd.s32 $0xFF0BDD80, v24  }
0x8e: {  	v26 =	vadd.s32 v26, v24  }
0x8f: {  	[tilespmem:s23+$0x600] =	vst v26  }
0x90: {  	v26 =	vld [tilespmem:s24+$0x3080];
	_ =	sdelay $0x3  }
0x91: {  	s31 =	simm.s32 $0x20;
	v25 =	vadd.s32 $0xFF0BDD80, v25;
	s26 =	simm.s32 $0x80;
	s24 =	simm.s32 $0x10  }
0x92: {  	s25 =	simm.s32 $0x4A10;
	s30 =	sand.u32 $0xC00, s26;
	s29 =	sand.u32 $0x70, s24;
	v26 =	vadd.s32 v26, v25  }
.LBB2_2:
0x93: {  	s29 =	sor.u32 s29, s30  }
0x94: {  	[tilespmem:s23+$0x800] =	vst v26;
	s23 =	sadd.s32 $0x10, s23;
	s30 =	smov.u32 s31;
	s28 =	sadd.s32 $0x10, s31  }
0x95: {  	p0 =	sne.s32 s31, $0x1F0;
	v26 =	vld [tilespmem:s29+$0x0];
	_ =	sdelay $0x4  }
0x96: {  	v26 =	vadd.s32 v15, v26  }
0x97: {  	[tilespmem:s25+$0xFFFFF600] =	vst v26  }
0x98: {  	v26 =	vld [tilespmem:s29+$0x80];
	_ =	sdelay $0x4  }
0x99: {  	v26 =	vadd.s32 v14, v26  }
0x9a: {  	[tilespmem:s25+$0xFFFFF800] =	vst v26  }
0x9b: {  	v26 =	vld [tilespmem:s29+$0x100];
	_ =	sdelay $0x4  }
0x9c: {  	v26 =	vadd.s32 v13, v26  }
0x9d: {  	[tilespmem:s25+$0xFFFFFA00] =	vst v26  }
0x9e: {  	v26 =	vld [tilespmem:s29+$0x180];
	_ =	sdelay $0x4  }
0x9f: {  	v26 =	vadd.s32 v12, v26  }
0xa0: {  	[tilespmem:s25+$0xFFFFFC00] =	vst v26  }
0xa1: {  	v26 =	vld [tilespmem:s29+$0x200];
	_ =	sdelay $0x4  }
0xa2: {  	v26 =	vadd.s32 v11, v26  }
0xa3: {  	[tilespmem:s25+$0xFFFFFE00] =	vst v26  }
0xa4: {  	v26 =	vld [tilespmem:s29+$0x280];
	_ =	sdelay $0x4  }
0xa5: {  	v26 =	vadd.s32 v10, v26  }
0xa6: {  	[tilespmem:s25+$0x0] =	vst v26  }
0xa7: {  	v26 =	vld [tilespmem:s29+$0x300];
	_ =	sdelay $0x4  }
0xa8: {  	s31 =	sor.u32 s26, s24;
	v26 =	vadd.s32 v9, v26  }
0xa9: {  	s31 =	sor.u32 $0x380, s31;
	[tilespmem:s25+$0x200] =	vst v26  }
0xaa: {  	v26 =	vld [tilespmem:s31+$0x0];
	_ =	sdelay $0x4  }
0xab: {  	v26 =	vadd.s32 v8, v26  }
0xac: {  	[tilespmem:s25+$0x400] =	vst v26  }
0xad: {  	v26 =	vld [tilespmem:s29+$0x1000];
	_ =	sdelay $0x4  }
0xae: {  	v26 =	vadd.s32 v7, v26  }
0xaf: {  	[tilespmem:s25+$0x600] =	vst v26  }
0xb0: {  	v26 =	vld [tilespmem:s29+$0x1080];
	_ =	sdelay $0x4  }
0xb1: {  	v26 =	vadd.s32 v6, v26  }
0xb2: {  	[tilespmem:s25+$0x800] =	vst v26  }
0xb3: {  	v26 =	vld [tilespmem:s29+$0x1100];
	_ =	sdelay $0x4  }
0xb4: {  	s31 =	sand.u32 $0x1F0, s24;
	s24 =	smov.u32 s30;
	v26 =	vadd.s32 v5, v26  }
0xb5: {  	[tilespmem:s31+$0x5400] =	vst v26  }
0xb6: {  	v26 =	vld [tilespmem:s29+$0x1180];
	_ =	sdelay $0x4  }
0xb7: {  	v26 =	vadd.s32 v4, v26  }
0xb8: {  	[tilespmem:s31+$0x5600] =	vst v26  }
0xb9: {  	v26 =	vld [tilespmem:s29+$0x1200];
	_ =	sdelay $0x4  }
0xba: {  	v26 =	vadd.s32 v3, v26  }
0xbb: {  	[tilespmem:s31+$0x5800] =	vst v26  }
0xbc: {  	v26 =	vld [tilespmem:s29+$0x1280];
	_ =	sdelay $0x4  }
0xbd: {  	v26 =	vadd.s32 v2, v26  }
0xbe: {  	[tilespmem:s31+$0x5A00] =	vst v26  }
0xbf: {  	v26 =	vld [tilespmem:s29+$0x1300];
	_ =	sdelay $0x4  }
0xc0: {  	v26 =	vadd.s32 v1, v26  }
0xc1: {  	[tilespmem:s31+$0x5C00] =	vst v26  }
0xc2: {  	v26 =	vld [tilespmem:s29+$0x1380];
	_ =	sdelay $0x4  }
0xc3: {  	v26 =	vadd.s32 v0, v26  }
0xc4: {  	[tilespmem:s31+$0x5E00] =	vst v26  }
0xc5: {  	v26 =	vld [tilespmem:s29+$0x2000];
	_ =	sdelay $0x4  }
0xc6: {  	v26 =	vadd.s32 v26, v16  }
0xc7: {  	[tilespmem:s23+$0xFFFFF600] =	vst v26  }
0xc8: {  	v26 =	vld [tilespmem:s29+$0x2080];
	_ =	sdelay $0x4  }
0xc9: {  	v26 =	vadd.s32 v26, v17  }
0xca: {  	[tilespmem:s23+$0xFFFFF800] =	vst v26  }
0xcb: {  	v26 =	vld [tilespmem:s29+$0x2100];
	_ =	sdelay $0x4  }
0xcc: {  	v26 =	vadd.s32 v26, v18  }
0xcd: {  	[tilespmem:s23+$0xFFFFFA00] =	vst v26  }
0xce: {  	v26 =	vld [tilespmem:s29+$0x2180];
	_ =	sdelay $0x4  }
0xcf: {  	v26 =	vadd.s32 v26, v19  }
0xd0: {  	[tilespmem:s23+$0xFFFFFC00] =	vst v26  }
0xd1: {  	v26 =	vld [tilespmem:s29+$0x2200];
	_ =	sdelay $0x4  }
0xd2: {  	v26 =	vadd.s32 v26, v20  }
0xd3: {  	[tilespmem:s23+$0xFFFFFE00] =	vst v26  }
0xd4: {  	v26 =	vld [tilespmem:s29+$0x2280];
	_ =	sdelay $0x4  }
0xd5: {  	v26 =	vadd.s32 v26, v21  }
0xd6: {  	[tilespmem:s23+$0x0] =	vst v26  }
0xd7: {  	v26 =	vld [tilespmem:s29+$0x2300];
	_ =	sdelay $0x4  }
0xd8: {  	v26 =	vadd.s32 v26, v22  }
0xd9: {  	[tilespmem:s23+$0x200] =	vst v26  }
0xda: {  	v26 =	vld [tilespmem:s29+$0x2380];
	_ =	sdelay $0x4  }
0xdb: {  	v26 =	vadd.s32 v26, v23  }
0xdc: {  	[tilespmem:s23+$0x400] =	vst v26  }
0xdd: {  	v26 =	vld [tilespmem:s29+$0x3000];
	_ =	sdelay $0x4  }
0xde: {  	v26 =	vadd.s32 v26, v24  }
0xdf: {  	[tilespmem:s23+$0x600] =	vst v26  }
0xe0: {  	v26 =	vld [tilespmem:s29+$0x3080]  }
.Ltmp0:
0xe1: {  	(pc) =	sbr.rel @p0 .LBB2_2-.Ltmp0, $4  }
0xe2: {  	_ = 	snop  }
0xe3: {  	s26 =	sadd.s32 $0x80, s26  }
0xe4: {  	s30 =	sand.u32 $0xC00, s26  }
0xe5: {  	s25 =	sadd.s32 $0x10, s25;
	s31 =	smov.u32 s28;
	s29 =	sand.u32 $0x70, s24;
	v26 =	vadd.s32 v26, v25  }
0xe6: {  	s28 =	sor.u32 s29, s30;
	[tilespmem:s23+$0x800] =	vst v26  }
0xe7: {  	v26 =	vld [tilespmem:s28+$0x0];
	_ =	sdelay $0x4  }
0xe8: {  	v15 =	vadd.s32 v15, v26  }
0xe9: {  	[tilespmem:s25+$0xFFFFF600] =	vst v15  }
0xea: {  	v15 =	vld [tilespmem:s28+$0x80];
	_ =	sdelay $0x4  }
0xeb: {  	v14 =	vadd.s32 v14, v15  }
0xec: {  	[tilespmem:s25+$0xFFFFF800] =	vst v14  }
0xed: {  	v14 =	vld [tilespmem:s28+$0x100];
	_ =	sdelay $0x4  }
0xee: {  	v13 =	vadd.s32 v13, v14  }
0xef: {  	[tilespmem:s25+$0xFFFFFA00] =	vst v13  }
0xf0: {  	v13 =	vld [tilespmem:s28+$0x180];
	_ =	sdelay $0x4  }
0xf1: {  	v12 =	vadd.s32 v12, v13  }
0xf2: {  	[tilespmem:s25+$0xFFFFFC00] =	vst v12  }
0xf3: {  	v12 =	vld [tilespmem:s28+$0x200];
	_ =	sdelay $0x4  }
0xf4: {  	v11 =	vadd.s32 v11, v12  }
0xf5: {  	[tilespmem:s25+$0xFFFFFE00] =	vst v11  }
0xf6: {  	v11 =	vld [tilespmem:s28+$0x280];
	_ =	sdelay $0x4  }
0xf7: {  	v10 =	vadd.s32 v10, v11  }
0xf8: {  	[tilespmem:s25+$0x0] =	vst v10  }
0xf9: {  	v10 =	vld [tilespmem:s28+$0x300];
	_ =	sdelay $0x4  }
0xfa: {  	s26 =	sor.u32 s26, s24;
	v9 =	vadd.s32 v9, v10  }
0xfb: {  	s26 =	sor.u32 $0x380, s26;
	[tilespmem:s25+$0x200] =	vst v9  }
0xfc: {  	v9 =	vld [tilespmem:s26+$0x0];
	_ =	sdelay $0x4  }
0xfd: {  	v8 =	vadd.s32 v8, v9  }
0xfe: {  	[tilespmem:s25+$0x400] =	vst v8  }
0xff: {  	v8 =	vld [tilespmem:s28+$0x1000];
	_ =	sdelay $0x4  }
0x100: {  	v7 =	vadd.s32 v7, v8  }
0x101: {  	[tilespmem:s25+$0x600] =	vst v7  }
0x102: {  	v7 =	vld [tilespmem:s28+$0x1080];
	_ =	sdelay $0x4  }
0x103: {  	v6 =	vadd.s32 v6, v7  }
0x104: {  	[tilespmem:s25+$0x800] =	vst v6  }
0x105: {  	v6 =	vld [tilespmem:s28+$0x1100];
	_ =	sdelay $0x4  }
0x106: {  	s25 =	sand.u32 $0x1F0, s24;
	v5 =	vadd.s32 v5, v6  }
0x107: {  	[tilespmem:s25+$0x5400] =	vst v5  }
0x108: {  	v5 =	vld [tilespmem:s28+$0x1180];
	_ =	sdelay $0x4  }
0x109: {  	v4 =	vadd.s32 v4, v5  }
0x10a: {  	[tilespmem:s25+$0x5600] =	vst v4  }
0x10b: {  	v4 =	vld [tilespmem:s28+$0x1200];
	_ =	sdelay $0x4  }
0x10c: {  	v3 =	vadd.s32 v3, v4  }
0x10d: {  	[tilespmem:s25+$0x5800] =	vst v3  }
0x10e: {  	v3 =	vld [tilespmem:s28+$0x1280];
	_ =	sdelay $0x4  }
0x10f: {  	v2 =	vadd.s32 v2, v3  }
0x110: {  	[tilespmem:s25+$0x5A00] =	vst v2  }
0x111: {  	v2 =	vld [tilespmem:s28+$0x1300];
	_ =	sdelay $0x4  }
0x112: {  	v1 =	vadd.s32 v1, v2  }
0x113: {  	[tilespmem:s25+$0x5C00] =	vst v1  }
0x114: {  	v1 =	vld [tilespmem:s28+$0x1380];
	_ =	sdelay $0x4  }
0x115: {  	v0 =	vadd.s32 v0, v1  }
0x116: {  	[tilespmem:s25+$0x5E00] =	vst v0  }
0x117: {  	v0 =	vld [tilespmem:s28+$0x2000];
	_ =	sdelay $0x4  }
0x118: {  	s26 =	sadd.s32 $0x10, s23;
	v0 =	vadd.s32 v0, v16  }
0x119: {  	[tilespmem:s26+$0xFFFFF600] =	vst v0  }
0x11a: {  	v0 =	vld [tilespmem:s28+$0x2080];
	_ =	sdelay $0x4  }
0x11b: {  	v0 =	vadd.s32 v0, v17  }
0x11c: {  	[tilespmem:s26+$0xFFFFF800] =	vst v0  }
0x11d: {  	v0 =	vld [tilespmem:s28+$0x2100];
	_ =	sdelay $0x4  }
0x11e: {  	v0 =	vadd.s32 v0, v18  }
0x11f: {  	[tilespmem:s26+$0xFFFFFA00] =	vst v0  }
0x120: {  	v0 =	vld [tilespmem:s28+$0x2180];
	_ =	sdelay $0x4  }
0x121: {  	v0 =	vadd.s32 v0, v19  }
0x122: {  	[tilespmem:s26+$0xFFFFFC00] =	vst v0  }
0x123: {  	v0 =	vld [tilespmem:s28+$0x2200];
	_ =	sdelay $0x4  }
0x124: {  	v0 =	vadd.s32 v0, v20  }
0x125: {  	[tilespmem:s26+$0xFFFFFE00] =	vst v0  }
0x126: {  	v0 =	vld [tilespmem:s28+$0x2280];
	_ =	sdelay $0x4  }
0x127: {  	v0 =	vadd.s32 v0, v21  }
0x128: {  	[tilespmem:s26+$0x0] =	vst v0  }
0x129: {  	v0 =	vld [tilespmem:s28+$0x2300];
	_ =	sdelay $0x4  }
0x12a: {  	v0 =	vadd.s32 v0, v22  }
0x12b: {  	[tilespmem:s26+$0x200] =	vst v0  }
0x12c: {  	v0 =	vld [tilespmem:s28+$0x2380];
	_ =	sdelay $0x4  }
0x12d: {  	v0 =	vadd.s32 v0, v23  }
0x12e: {  	[tilespmem:s26+$0x400] =	vst v0  }
0x12f: {  	v0 =	vld [tilespmem:s28+$0x3000];
	_ =	sdelay $0x4  }
0x130: {  	v0 =	vadd.s32 v0, v24  }
0x131: {  	[tilespmem:s26+$0x600] =	vst v0  }
0x132: {  	v0 =	vld [tilespmem:s28+$0x3080];
	_ =	sdelay $0x4  }
0x133: {  	v0 =	vadd.s32 v0, v25  }
0x134: {  	[tilespmem:s26+$0x800] =	vst v0  }
0x135: {  	_ =	strace $0x90000049  }
0x136: {  	_ =	strace $0x8000004A  }
0x137: {  	[hbm4b:s7+s15] =	stream.strided.scatter [tilespmem:s17], [sflag:$0x1], $0x1400, s16, s15, $0x200038;
	[tilespmem:$0x9880] =	vst v63  }
0x138: {  	s29 =	simm.s32 $0x7600  }
0x139: {  	[tilespmem:s29], [sflag:$0x1] =	stream.indirect.gather [hbm4b:s4+s18], $0x1, s19, s18, $0x2000b8;
	[tilespmem:$0x9880] =	vst v63  }
0x13a: {  	_ =	swait.ge [sflag:s14], $0x2000  }
0x13b: {  	[sflag:s14] =	ssyncset.done $0x0  }
0x13c: {  	[sflag:s14] =	ssyncadd.s32 $0xFFFFE000  }
0x13d: {  	_ =	swait.ge [sflag:s14], $0x1400  }
0x13e: {  	[sflag:s14] =	ssyncset.done $0x0  }
0x13f: {  	[sflag:s14] =	ssyncadd.s32 $0xFFFFEC00  }
0x140: {  	_ =	strace $0x9000004A  }
0x141: {  	v0 =	vld [tilespmem:$0x9600];
	_ =	strace $0x8000004B  }
0x142: {  	s30 =	simm.s32 $0x0;
	v1 =	vld [tilespmem:s29+$0x0]  }
0x143: {  	s31 =	sand.u32 $0x1F0, s30  }
0x144: {  	v2 =	vld [tilespmem:s31+$0x7800];
	_ =	sdelay $0x1  }
0x145: {  	v3 =	vld [tilespmem:s31+$0x7A00]  }
0x146: {  	v1 =	vadd.f32 v1, v0  }
0x147: {  	v59 =	vld [tilespmem:s31+$0x7C00]  }
0x148: {  	v1 =	vadd.f32 v2, v1  }
0x149: {  	v2 =	vld [tilespmem:s31+$0x7E00]  }
0x14a: {  	v1 =	vadd.f32 v3, v1  }
0x14b: {  	v3 =	vld [tilespmem:s31+$0x8000]  }
0x14c: {  	v1 =	vadd.f32 v59, v1  }
0x14d: {  	v60 =	vld [tilespmem:s31+$0x8200]  }
0x14e: {  	v1 =	vadd.f32 v2, v1  }
0x14f: {  	v2 =	vld [tilespmem:s31+$0x8400]  }
0x150: {  	v1 =	vadd.f32 v3, v1  }
0x151: {  	v3 =	vld [tilespmem:s31+$0x8600]  }
0x152: {  	v1 =	vadd.f32 v60, v1  }
0x153: {  	v61 =	vld [tilespmem:s31+$0x8800]  }
0x154: {  	v1 =	vadd.f32 v2, v1  }
0x155: {  	v2 =	vld [tilespmem:s31+$0x8A00]  }
0x156: {  	v1 =	vadd.f32 v3, v1  }
0x157: {  	v3 =	vld [tilespmem:s31+$0x8C00]  }
0x158: {  	v1 =	vadd.f32 v61, v1  }
0x159: {  	v62 =	vld [tilespmem:s31+$0x8E00]  }
0x15a: {  	v1 =	vadd.f32 v2, v1  }
0x15b: {  	v2 =	vld [tilespmem:s31+$0x9000]  }
0x15c: {  	v1 =	vadd.f32 v3, v1  }
0x15d: {  	v3 =	vld [tilespmem:s31+$0x9200]  }
0x15e: {  	v1 =	vadd.f32 v62, v1  }
0x15f: {  	v63 =	vld [tilespmem:s31+$0x9400]  }
0x160: {  	v1 =	vadd.f32 v2, v1;
	_ =	sdelay $0x1  }
0x161: {  	v1 =	vadd.f32 v3, v1;
	_ =	sdelay $0x1  }
0x162: {  	v1 =	vadd.f32 v63, v1  }
0x163: {  	s23 =	simm.s32 $0x9680  }
0x164: {  	s24 =	simm.s32 $0x7610;
	[tilespmem:s23+$0x0] =	vst v1  }
0x165: {  	s25 =	simm.s32 $0x10;
	s26 =	simm.s32 $0x20;
	v1 =	vld [tilespmem:s24+$0x0]  }
.LBB2_4:
0x166: {  	p0 =	sne.s32 s26, $0x1F0;
	s28 =	sand.u32 $0x1F0, s25;
	s25 =	smov.u32 s26  }
0x167: {  	v2 =	vld [tilespmem:s28+$0x7800];
	_ =	sdelay $0x1  }
0x168: {  	v3 =	vld [tilespmem:s28+$0x7A00]  }
0x169: {  	v1 =	vadd.f32 v1, v0  }
0x16a: {  	v4 =	vld [tilespmem:s28+$0x7C00]  }
0x16b: {  	v1 =	vadd.f32 v2, v1  }
0x16c: {  	v2 =	vld [tilespmem:s28+$0x7E00]  }
0x16d: {  	v1 =	vadd.f32 v3, v1  }
0x16e: {  	v3 =	vld [tilespmem:s28+$0x8000]  }
0x16f: {  	v1 =	vadd.f32 v4, v1  }
0x170: {  	v4 =	vld [tilespmem:s28+$0x8200]  }
0x171: {  	v1 =	vadd.f32 v2, v1  }
0x172: {  	v2 =	vld [tilespmem:s28+$0x8400]  }
0x173: {  	v1 =	vadd.f32 v3, v1  }
0x174: {  	v3 =	vld [tilespmem:s28+$0x8600]  }
0x175: {  	v1 =	vadd.f32 v4, v1  }
0x176: {  	v4 =	vld [tilespmem:s28+$0x8800]  }
0x177: {  	v1 =	vadd.f32 v2, v1  }
0x178: {  	v2 =	vld [tilespmem:s28+$0x8A00]  }
0x179: {  	v1 =	vadd.f32 v3, v1  }
0x17a: {  	v3 =	vld [tilespmem:s28+$0x8C00]  }
0x17b: {  	v1 =	vadd.f32 v4, v1  }
0x17c: {  	v4 =	vld [tilespmem:s28+$0x8E00]  }
0x17d: {  	v1 =	vadd.f32 v2, v1  }
0x17e: {  	v2 =	vld [tilespmem:s28+$0x9000]  }
0x17f: {  	v1 =	vadd.f32 v3, v1  }
0x180: {  	v3 =	vld [tilespmem:s28+$0x9200]  }
0x181: {  	v1 =	vadd.f32 v4, v1  }
0x182: {  	v4 =	vld [tilespmem:s28+$0x9400]  }
0x183: {  	v1 =	vadd.f32 v2, v1;
	_ =	sdelay $0x1  }
0x184: {  	v1 =	vadd.f32 v3, v1  }
.Ltmp1:
0x185: {  	(pc) =	sbr.rel @p0 .LBB2_4-.Ltmp1, $4  }
0x186: {  	v1 =	vadd.f32 v4, v1  }
0x187: {  	s23 =	sadd.s32 $0x10, s23  }
0x188: {  	s24 =	sadd.s32 $0x10, s24;
	[tilespmem:s23+$0x0] =	vst v1  }
0x189: {  	s26 =	sadd.s32 $0x10, s26;
	v1 =	vld [tilespmem:s24+$0x0]  }
0x18a: {  	s24 =	sand.u32 $0x1F0, s25  }
0x18b: {  	v2 =	vld [tilespmem:s24+$0x7800];
	_ =	sdelay $0x1  }
0x18c: {  	v3 =	vld [tilespmem:s24+$0x7A00]  }
0x18d: {  	v0 =	vadd.f32 v1, v0  }
0x18e: {  	v51 =	vld [tilespmem:s24+$0x7C00]  }
0x18f: {  	v0 =	vadd.f32 v2, v0  }
0x190: {  	v52 =	vld [tilespmem:s24+$0x7E00]  }
0x191: {  	v0 =	vadd.f32 v3, v0  }
0x192: {  	v53 =	vld [tilespmem:s24+$0x8000]  }
0x193: {  	v0 =	vadd.f32 v51, v0  }
0x194: {  	v54 =	vld [tilespmem:s24+$0x8200]  }
0x195: {  	v0 =	vadd.f32 v52, v0  }
0x196: {  	v55 =	vld [tilespmem:s24+$0x8400]  }
0x197: {  	v0 =	vadd.f32 v53, v0  }
0x198: {  	v56 =	vld [tilespmem:s24+$0x8600]  }
0x199: {  	v0 =	vadd.f32 v54, v0  }
0x19a: {  	v57 =	vld [tilespmem:s24+$0x8800]  }
0x19b: {  	v0 =	vadd.f32 v55, v0  }
0x19c: {  	v58 =	vld [tilespmem:s24+$0x8A00]  }
0x19d: {  	v0 =	vadd.f32 v56, v0  }
0x19e: {  	v59 =	vld [tilespmem:s24+$0x8C00]  }
0x19f: {  	v0 =	vadd.f32 v57, v0  }
0x1a0: {  	v60 =	vld [tilespmem:s24+$0x8E00]  }
0x1a1: {  	v0 =	vadd.f32 v58, v0  }
0x1a2: {  	v61 =	vld [tilespmem:s24+$0x9000]  }
0x1a3: {  	v0 =	vadd.f32 v59, v0  }
0x1a4: {  	v62 =	vld [tilespmem:s24+$0x9200]  }
0x1a5: {  	v0 =	vadd.f32 v60, v0  }
0x1a6: {  	v63 =	vld [tilespmem:s24+$0x9400]  }
0x1a7: {  	v0 =	vadd.f32 v61, v0;
	_ =	sdelay $0x1  }
0x1a8: {  	v0 =	vadd.f32 v62, v0;
	_ =	sdelay $0x1  }
0x1a9: {  	v0 =	vadd.f32 v63, v0  }
0x1aa: {  	s23 =	sadd.s32 $0x10, s23  }
0x1ab: {  	[tilespmem:s23+$0x0] =	vst v0  }
0x1ac: {  	s22 =	sadd.s32 $0x1, s22;
	_ =	strace $0x9000004B  }
0x1ad: {  	p0 =	sne.s32 s22, s9;
	_ =	strace $0x8000004C  }
0x1ae: {  	[hbm4b:s8+s3] =	stream.linear.scatter [tilespmem:s20], [sflag:$0x2], $0x200, $0x200038;
	[tilespmem:$0x9880] =	vst v63  }
.Ltmp2:
0x1af: {  	_ = 	snop;
	(pc) =	sbr.rel @p0 .LBB2_1-.Ltmp2, $4  }
0x1b0: {  	_ =	swait.ge [sflag:s21], $0x200  }
0x1b1: {  	[sflag:s21] =	ssyncset.done $0x0  }
0x1b2: {  	[sflag:s21] =	ssyncadd.s32 $0xFFFFFE00  }
0x1b3: {  	_ =	strace $0x9000004C  }
0x1b4: {  	_ =	sfence.sel $0x180000  }
0x1b5: {  	[bflag:$0x0] =	sbarrier.arrive $0xFFFF  }
0x1b6: {  	p0 =	sne.s32 s1, $0x0;
	_ =	strace $0x90000047  }
0x1b7: {  	s0 =	sadd.s32 @!p0 $0x100000, s0;
	[bflag:$0x2] =	sbarrier.arrive $0xFFFF  }
0x1b8: {  	[sflag:s0] =	ssyncadd.tile.s32 @!p0 $0x1;
	_ =	shalt  }
.Lfunc_end2:
_tile_overlayer_lowered:
.L_overlay_start_2:
0x1b9: {  	(tag) =	ssettag $0x2  }
0x1ba: {  	s0 =	rddreg [dreg:$0x0];
	s2 =	stileid.u32  }
0x1bb: {  	s1 =	rddreg [dreg:$0x1];
	p0 =	sne.s32 s2, $0x0  }
0x1bc: {  	s3 =	rddreg [dreg:$0x2];
	[bflag:$0x3] =	sbarrier.arrive $0xFFFF;
	s2 =	simm.s32 @!p0 $0x1C02  }
0x1bd: {  	[timem:s3], [sflag:s2] =	dma.local @!p0 [hbm:s0], s1  }
0x1be: {  	s0 =	simm.s32 @!p0 $0x2  }
0x1bf: {  	_ =	swait.ge @!p0 [sflag:s0], s1  }
0x1c0: {  	s1 =	ssub.s32 @!p0 $0x0, s1;
	[sflag:s0] =	ssyncset.done @!p0 $0x0  }
0x1c1: {  	[sflag:s0] =	ssyncadd.s32 @!p0 s1  }
0x1c2: {  	[bflag:$0x3] =	sbarrier.arrive $0xFFFF  }
0x1c3: {  	_ =	shalt  }

// kernel: kernel.7.cloned.1.call-start
scs
__scs_entry_jumppad:
0x0: {  	(pc) =	sbr.rel $0x88, $3  }
0x1: {  	(tag) =	ssettag $0x0;
	lr =	simm.s32 $0x1  }
0x2: {  	[smem:$0x3F9D] =	sst lr;
	_ =	strace $0xD0000000  }
0x3: {  	_ = 	snop  }
0x4: {  	_ = 	snop  }
0x5: {  	_ = 	snop  }
0x6: {  	_ = 	snop  }
0x7: {  	_ = 	snop  }
__scs_overlays_trampoline_lowered:
0x8: {  	[smem:$0x3FAC] =	sst s0  }
0x9: {  	[smem:$0x3FAD] =	sst s1  }
0xa: {  	[smem:$0x3FAE] =	sst s2  }
0xb: {  	[smem:$0x3FAF] =	sst s3  }
0xc: {  	[smem:$0x3FB0] =	sst s4  }
0xd: {  	[smem:$0x3FB1] =	sst s5  }
0xe: {  	[smem:$0x3FB2] =	sst s6  }
0xf: {  	[smem:$0x3FB3] =	sst s7  }
0x10: {  	[smem:$0x3FB4] =	sst s8  }
0x11: {  	[smem:$0x3FB5] =	sst s9;
	s0 =	simm.s32 @!p0 $0x0  }
0x12: {  	s1 =	sld [smem:$0x3F9B];
	s0 =	simm.s32 @p0 $0x1  }
0x13: {  	[smem:$0x3FB6] =	sst s0;
	s0 =	simm.s32 @!p1 $0x0  }
0x14: {  	s2 =	sld [smem:$0x3F9A];
	s0 =	simm.s32 @p1 $0x1  }
0x15: {  	[smem:$0x3FB7] =	sst s0;
	s0 =	simm.s32 @!p2 $0x0  }
0x16: {  	s3 =	sld [smem:$0x3FDB];
	s0 =	simm.s32 @p2 $0x1  }
0x17: {  	s4 =	simm.s32 $0x1BF5;
	[smem:$0x3FB9] =	sst s0  }
0x18: {  	s0 =	sld [smem:$0x3F9C];
	_ =	swait.ge [sflag:s4], $0x0  }
0x19: {  	s7 =	sld [smem:$0x3F9D]  }
0x1a: {  	s8 =	sadd.s32 $0xFFFFE003, lr  }
0x1b: {  	s9 =	sadd.s32 $0xFFFFFEF7, lr;
	s5 =	simm.s32 $0xFFFFFFFF;
	p2 =	slt.u32 s8, $0xFFFFF086  }
0x1c: {  	p1 =	slt.u32 s9, $0xF7A;
	s5 =	simm.s32 @!p2 $0x0  }
0x1d: {  	s5 =	simm.s32 @p1 $0x1;
	p0 =	seq.s32 s7, s2  }
0x1e: {  	s7 =	smul.u32 @!p0 $0xF7A, s2;
	p2 =	seq.s32 @!p0 s5, $0x0  }
0x1f: {  	s9 =	smul.u32 $0xF7A, s1;
	s8 =	simm.s32 @!p0 $0x1BF5;
	p2 =	por !p2, p0  }
0x20: {  	[sflag:s8] =	ssyncset.s32 @!p0 $0xFFFFF086;
	s6 =	sadd.s32 @!p0 s3, s7;
	s7 =	simm.s32 @!p0 $0x108  }
0x21: {  	s3 =	sadd.s32 s3, s9;
	s6 =	sadd.s32 @!p0 $0x88, s6;
	s7 =	simm.s32 @p2 $0x1082  }
0x22: {  	[simem:s7], [sflag:s8] =	dma.local @!p0 [hbm:s6], $0xF7A  }
0x23: {  	s9 =	sor.u32 $0xD0000000, s2;
	s6 =	simm.s32 $0x108;
	_ =	swait.ge @!p0 [sflag:s8], $0x0  }
0x24: {  	s3 =	sadd.s32 $0x88, s3;
	s6 =	simm.s32 @!p1 $0x1082;
	[sflag:s4] =	ssyncset.s32 $0xFFFFF086  }
0x25: {  	[simem:s6], [sflag:s4] =	dma.local [hbm:s3], $0xF7A  }
0x26: {  	[smem:$0x3F9D] =	sst s1;
	(tag) =	ssettag s2;
	_ =	strace s9  }
0x27: {  	s1 =	sld [smem:$0x3FAD]  }
0x28: {  	s2 =	sld [smem:$0x3FAE]  }
0x29: {  	s4 =	sld [smem:$0x3FB0]  }
0x2a: {  	p0 =	seq.s32 s5, $0x0;
	s5 =	sld [smem:$0x3FB1]  }
0x2b: {  	s6 =	sld [smem:$0x3FB2]  }
0x2c: {  	s7 =	sld [smem:$0x3FB3]  }
0x2d: {  	s3 =	simm.s32 $0x108;
	s8 =	sld [smem:$0x3FB4]  }
0x2e: {  	s3 =	simm.s32 @!p0 $0x1082;
	s9 =	sld [smem:$0x3FB5]  }
0x2f: {  	lr =	sadd.s32 s0, s3;
	s0 =	sld [smem:$0x3FAC]  }
0x30: {  	s3 =	sld [smem:$0x3FAF]  }
0x31: {  	[smem:$0x3FB8] =	sst s10  }
0x32: {  	s10 =	sld [smem:$0x3FB6];
	_ =	sdelay $0x3  }
0x33: {  	p0 =	seq.s32 s10, $0x1;
	s10 =	sld [smem:$0x3FB8];
	_ =	sdelay $0x3  }
0x34: {  	[smem:$0x3FB8] =	sst s10  }
0x35: {  	s10 =	sld [smem:$0x3FB7];
	_ =	sdelay $0x3  }
0x36: {  	p1 =	seq.s32 s10, $0x1;
	s10 =	sld [smem:$0x3FB8];
	_ =	sdelay $0x3  }
0x37: {  	[smem:$0x3FB8] =	sst s10  }
0x38: {  	s10 =	sld [smem:$0x3FB9]  }
0x39: {  	_ = 	snop;
	(pc) =	sbr.ind lr, $3  }
0x3a: {  	_ = 	snop  }
0x3b: {  	_ = 	snop  }
0x3c: {  	p2 =	seq.s32 s10, $0x1;
	s10 =	sld [smem:$0x3FB8]  }
0x3d: {  	_ =	shalt  }
0x3e: {  	_ =	shalt  }
0x3f: {  	_ =	shalt  }
0x40: {  	_ =	shalt  }
0x41: {  	_ =	shalt  }
0x42: {  	_ =	shalt  }
0x43: {  	_ =	shalt  }
0x44: {  	_ =	shalt  }
0x45: {  	_ =	shalt  }
0x46: {  	_ =	shalt  }
0x47: {  	_ =	shalt  }
0x48: {  	_ =	shalt  }
0x49: {  	_ =	shalt  }
0x4a: {  	_ =	shalt  }
0x4b: {  	_ =	shalt  }
0x4c: {  	_ =	shalt  }
0x4d: {  	_ =	shalt  }
0x4e: {  	_ =	shalt  }
0x4f: {  	_ =	shalt  }
0x50: {  	_ =	shalt  }
0x51: {  	_ =	shalt  }
0x52: {  	_ =	shalt  }
0x53: {  	_ =	shalt  }
0x54: {  	_ =	shalt  }
0x55: {  	_ =	shalt  }
0x56: {  	_ =	shalt  }
0x57: {  	_ =	shalt  }
0x58: {  	_ =	shalt  }
0x59: {  	_ =	shalt  }
0x5a: {  	_ =	shalt  }
0x5b: {  	_ =	shalt  }
0x5c: {  	_ =	shalt  }
0x5d: {  	_ =	shalt  }
0x5e: {  	_ =	shalt  }
0x5f: {  	_ =	shalt  }
0x60: {  	_ =	shalt  }
0x61: {  	_ =	shalt  }
0x62: {  	_ =	shalt  }
0x63: {  	_ =	shalt  }
0x64: {  	_ =	shalt  }
0x65: {  	_ =	shalt  }
0x66: {  	_ =	shalt  }
0x67: {  	_ =	shalt  }
0x68: {  	_ =	shalt  }
0x69: {  	_ =	shalt  }
0x6a: {  	_ =	shalt  }
0x6b: {  	_ =	shalt  }
0x6c: {  	_ =	shalt  }
0x6d: {  	_ =	shalt  }
0x6e: {  	_ =	shalt  }
0x6f: {  	_ =	shalt  }
0x70: {  	_ =	shalt  }
0x71: {  	_ =	shalt  }
0x72: {  	_ =	shalt  }
0x73: {  	_ =	shalt  }
0x74: {  	_ =	shalt  }
0x75: {  	_ =	shalt  }
0x76: {  	_ =	shalt  }
0x77: {  	_ =	shalt  }
0x78: {  	_ =	shalt  }
0x79: {  	_ =	shalt  }
0x7a: {  	_ =	shalt  }
0x7b: {  	_ =	shalt  }
0x7c: {  	_ =	shalt  }
0x7d: {  	_ =	shalt  }
0x7e: {  	_ =	shalt  }
0x7f: {  	_ =	shalt  }
0x80: {  	_ =	shalt  }
0x81: {  	_ =	shalt  }
0x82: {  	_ =	shalt  }
0x83: {  	_ =	shalt  }
0x84: {  	_ =	shalt  }
0x85: {  	_ =	shalt  }
0x86: {  	_ =	shalt  }
0x87: {  	_ =	shalt  }
.Lfunc_end0:
.L_simem_size_0:
called_computation.1_lowered:
.L_overlay_start_0:
0x88: {  	s2 =	sld [smem:$0x3FD9]  }
0x89: {  	s3 =	sld [smem:$0x3FFE];
	_ =	sdelay $0x1  }
0x8a: {  	s1 =	srdreg.scid  }
0x8b: {  	s0 =	sand.u32 $0x1, s1  }
0x8c: {  	s17 =	sshll.u32 s0, $0xA;
	s2 =	sadd.s32 s3, s2  }
0x8d: {  	s2 =	sadd.s32 s2, s17  }
0x8e: {  	[smem:$0x3FC4] =	sst s2  }
0x8f: {  	_ = 	snop  }
0x90: {  	s2 =	sld [smem:$0x3FD0];
	(tm) =	ssettm $0x1  }
0x91: {  	s18 =	sld [smem:$0x3FFB];
	_ =	sdelay $0x3  }
0x92: {  	_ =	strace s18  }
0x93: {  	s3 =	sld [smem:$0x3FFC];
	_ =	sdelay $0x3  }
0x94: {  	_ =	strace s3  }
0x95: {  	s3 =	sld [smem:$0x3FFD];
	_ =	sdelay $0x3  }
0x96: {  	_ =	strace s3  }
0x97: {  	_ =	strace $0x8FFFFFFF  }
0x98: {  	s19 =	sld [smem:$0x3FDB];
	_ =	sdelay $0x1  }
0x99: {  	s4 =	simm.s32 $_scs_section_size  }
0x9a: {  	s5 =	simm.s32 $_size__tile_overlayer_lowered;
	s6 =	simm.s32 $_tile_overlayer_lowered  }
0x9b: {  	s22 =	simm.s32 $0x1BFF;
	s21 =	sshll.u32 s6, $0x1;
	s3 =	sadd.s32 s4, s19  }
0x9c: {  	s7 =	simm.s32 $0x0;
	s20 =	sshll.u32 s5, $0x1;
	s5 =	sadd.s32 s21, s3  }
0x9d: {  	[timem:s7], [sflag:s22] =	dma.local [hbm:s5], s20  }
0x9e: {  	_ =	swait.ge [sflag:s22], s20  }
0x9f: {  	s4 =	ssub.s32 $0x0, s20;
	[sflag:s22] =	ssyncset.done $0x0  }
0xa0: {  	[sflag:s22] =	ssyncadd.s32 s4;
	_ =	sdelay $0x1  }
0xa1: {  	s23 =	simm.s32 $0x1B8B  }
0xa2: {  	_ =	swait.ge [sflag:s23], $0x1  }
0xa3: {  	[sflag:s23] =	ssyncset.done $0x0  }
0xa4: {  	s25 =	simm.s32 $0x1B8E;
	s24 =	sld [smem:$0x3FFE];
	[sflag:s23] =	ssyncadd.s32 $0xFFFFFFFF  }
0xa5: {  	s26 =	simm.s32 $execute0_lowered;
	[smem:$0x3FD2] =	sst s25  }
0xa6: {  	s5 =	sshll.u32 s26, $0x1;
	_ =	strace $0x8000004E;
	[dreg:$0x1] =	wrdreg $0xFFFFFFFF  }
0xa7: {  	s28 =	simm.s32 $_size_execute0_lowered;
	s3 =	sadd.s32 s3, s5;
	[dreg:$0x0] =	wrdreg $0x0  }
0xa8: {  	s5 =	sshll.u32 s28, $0x1;
	[dreg:$0x2] =	wrdreg s3  }
0xa9: {  	[dreg:$0x3] =	wrdreg s5  }
0xaa: {  	[dreg:$0x4] =	wrdreg $0xC0  }
0xab: {  	_ =	task [dreg:s7], $0x5FFFF  }
0xac: {  	[dreg:$0x1] =	wrdreg $0xFFFFFFFF  }
0xad: {  	[dreg:$0x0] =	wrdreg $0x60  }
0xae: {  	[dreg:$0x2] =	wrdreg s24  }
0xaf: {  	[dreg:$0x3] =	wrdreg s2  }
0xb0: {  	[dreg:$0x4] =	wrdreg $0x9  }
0xb1: {  	_ =	task.clear_ibuf [dreg:s7], $0x5FFFF;
	_ =	strace $0x9000004E  }
0xb2: {  	s29 =	simm.s32 $0x9;
	_ =	strace $0x80000054  }
0xb3: {  	_ =	swait.ge [sflag:s29], $0x1  }
0xb4: {  	[sflag:s29] =	ssyncadd.s32 $0xFFFFFFFF  }
0xb5: {  	_ =	strace $0x90000054  }
0xb6: {  	_ =	sfence  }
0xb7: {  	s30 =	sld [smem:$0x0];
	_ =	sdelay $0x2  }
0xb8: {  	s31 =	sshll.u32 s1, $0xD;
	s1 =	sshrl.u32 s1, $0x2  }
0xb9: {  	s3 =	sand.u32 $0x4000, s31;
	s1 =	sadd.s32 s1, s30  }
0xba: {  	s0 =	sor.u32 s3, s0;
	s1 =	sshll.u32 s1, $0x11  }
0xbb: {  	s0 =	sor.u32 s1, s0  }
0xbc: {  	s0 =	sadd.s32 $0x8F2B, s0  }
0xbd: {  	[sflag:s0] =	ssyncadd.remote.s32 $0x1  }
0xbe: {  	_ =	sfence.sel $0xFFFF  }
0xbf: {  	[dreg:$0x0] =	wrdreg $0xFFFFFFFF;
	(pc) =	sbr.abs _section_cstart, $3  }
0xc0: {  	[dreg:$0x1] =	wrdreg $0xFFFFFFFF  }
0xc1: {  	_ =	task.clear_ibuf [dreg:s7], $0x2FFFF;
	_ =	strace $0x9FFFFFFF  }
0xc2: {  	(tm) =	ssettm $0x7FFFFFFF  }
0xc3: {  	_ =	shalt  }
tec
execute0_lowered:
.L_overlay_start_1:
0x0: {  	(tag) =	ssettag $0x1  }
0x1: {  	s1 =	srdreg.scid;
	s5 =	rddreg [dreg:$0x0]  }
0x2: {  	s0 =	stileid.u32;
	s7 =	rddreg [dreg:$0x1]  }
0x3: {  	s2 =	simm.s32 $0x0;
	s10 =	simm.s32 $0x1;
	s11 =	simm.s32 $0x2A00  }
0x4: {  	s12 =	simm.s32 $0x2;
	s3 =	sand.u32 $0x1, s1;
	s26 =	sshll.u32 s0, $0x1  }
0x5: {  	s13 =	simm.s32 $0x0;
	s28 =	sshrl.u32 s0, $0x2;
	s4 =	sor.u32 s3, s26  }
0x6: {  	[smem:$0x7FF] =	sst s2;
	s6 =	smul.u32 $0xA000, s28;
	s29 =	sshll.u32 s4, $0x7  }
0x7: {  	s1 =	rddreg [dreg:$0x2];
	_ =	strace $0x8000004F;
	s8 =	sand.u32 $0x380, s29  }
0x8: {  	s30 =	ssub.s32 $0x2, s3;
	s3 =	sadd.s32 $0x1EEE00, s5;
	s6 =	sor.u32 s6, s8  }
0x9: {  	s9 =	sshll.u32 s4, $0x6;
	s31 =	sshrl.u32 s30, $0x1;
	s6 =	sshrl.u32 s6, $0x3  }
0xa: {  	s8 =	ssub.s32 s30, s31;
	s6 =	sadd.s32 s6, s5;
	s5 =	sadd.s32 s9, s5  }
0xb: {  	s4 =	sadd.s32 $0x1E9E00, s6;
	s5 =	sadd.s32 $0x1E9600, s5;
	s6 =	sadd.s32 s7, s9  }
0xc: {  	s7 =	smax.u32 s8, $0x1;
	s8 =	simm.s32 $0x80;
	s9 =	simm.s32 $0x400  }
.LBB2_1:
0xd: {  	_ =	strace $0x80000050  }
0xe: {  	[tilespmem:s2], [sflag:$0x1] =	stream.strided.gather [hbm4b:s4+s8], $0x1400, s9, s8, $0x200038;
	[tilespmem:$0x2C00] =	vst v63  }
0xf: {  	s14 =	simm.s32 $0x2800  }
0x10: {  	[tilespmem:s14], [sflag:$0x1] =	stream.linear.gather [hbm4b:s5+s2], $0x200, $0x200038;
	[tilespmem:$0x2C00] =	vst v63  }
0x11: {  	_ =	swait.ge [sflag:s10], $0x1400  }
0x12: {  	[sflag:s10] =	ssyncset.done $0x0  }
0x13: {  	[sflag:s10] =	ssyncadd.s32 $0xFFFFEC00  }
0x14: {  	_ =	strace $0x90000050  }
0x15: {  	s15 =	simm.s32 $0x1400;
	_ =	strace $0x80000051  }
0x16: {  	[tilespmem:s15], [sflag:$0x1] =	stream.indirect.gather [hbm4b:s3+s15], $0x1, s2, s15, $0x2000b8;
	[tilespmem:$0x2C00] =	vst v63  }
0x17: {  	_ =	swait.ge [sflag:s10], $0x1400  }
0x18: {  	[sflag:s10] =	ssyncset.done $0x0  }
0x19: {  	[sflag:s10] =	ssyncadd.s32 $0xFFFFEC00  }
0x1a: {  	_ =	swait.ge [sflag:s10], $0x200  }
0x1b: {  	[sflag:s10] =	ssyncset.done $0x0  }
0x1c: {  	[sflag:s10] =	ssyncadd.s32 $0xFFFFFE00  }
0x1d: {  	_ =	strace $0x90000051  }
0x1e: {  	_ =	strace $0x80000052  }
0x1f: {  	v0 =	vld [tilespmem:s15+$0x0]  }
0x20: {  	v1 =	vld [tilespmem:s14+$0x0]  }
0x21: {  	s31 =	sand.u32 $0x1F0, s2  }
0x22: {  	v2 =	vld [tilespmem:s31+$0x1600];
	_ =	sdelay $0x1  }
0x23: {  	v3 =	vld [tilespmem:s31+$0x1800]  }
0x24: {  	v0 =	vadd.f32 v0, v1  }
0x25: {  	v1 =	vld [tilespmem:s31+$0x1A00]  }
0x26: {  	v0 =	vadd.f32 v2, v0  }
0x27: {  	v2 =	vld [tilespmem:s31+$0x1C00]  }
0x28: {  	v0 =	vadd.f32 v3, v0  }
0x29: {  	v3 =	vld [tilespmem:s31+$0x1E00]  }
0x2a: {  	v0 =	vadd.f32 v1, v0  }
0x2b: {  	v1 =	vld [tilespmem:s31+$0x2000]  }
0x2c: {  	v0 =	vadd.f32 v2, v0  }
0x2d: {  	v2 =	vld [tilespmem:s31+$0x2200]  }
0x2e: {  	v0 =	vadd.f32 v3, v0  }
0x2f: {  	v3 =	vld [tilespmem:s31+$0x2400]  }
0x30: {  	v0 =	vadd.f32 v1, v0  }
0x31: {  	v1 =	vld [tilespmem:s31+$0x2600]  }
0x32: {  	v0 =	vadd.f32 v2, v0;
	_ =	sdelay $0x1  }
0x33: {  	v0 =	vadd.f32 v3, v0;
	_ =	sdelay $0x1  }
0x34: {  	v0 =	vadd.f32 v1, v0;
	_ =	sdelay $0x1  }
0x35: {  	s15 =	simm.s32 $0x1410;
	[tilespmem:s11+$0x0] =	vst v0  }
0x36: {  	s16 =	simm.s32 $0x2810;
	v0 =	vld [tilespmem:s15+$0x0]  }
0x37: {  	s17 =	simm.s32 $0x10;
	s18 =	simm.s32 $0x20;
	s14 =	simm.s32 $0x2A00;
	v1 =	vld [tilespmem:s16+$0x0]  }
.LBB2_2:
0x38: {  	p0 =	sne.s32 s18, $0x1F0;
	s19 =	sand.u32 $0x1F0, s17;
	s17 =	smov.u32 s18  }
0x39: {  	v2 =	vld [tilespmem:s19+$0x1600];
	_ =	sdelay $0x1  }
0x3a: {  	v3 =	vld [tilespmem:s19+$0x1800]  }
0x3b: {  	v0 =	vadd.f32 v0, v1  }
0x3c: {  	v1 =	vld [tilespmem:s19+$0x1A00]  }
0x3d: {  	v0 =	vadd.f32 v2, v0  }
0x3e: {  	v2 =	vld [tilespmem:s19+$0x1C00]  }
0x3f: {  	v0 =	vadd.f32 v3, v0  }
0x40: {  	v3 =	vld [tilespmem:s19+$0x1E00]  }
0x41: {  	v0 =	vadd.f32 v1, v0  }
0x42: {  	v1 =	vld [tilespmem:s19+$0x2000]  }
0x43: {  	v0 =	vadd.f32 v2, v0  }
0x44: {  	v2 =	vld [tilespmem:s19+$0x2200]  }
0x45: {  	v0 =	vadd.f32 v3, v0  }
0x46: {  	v3 =	vld [tilespmem:s19+$0x2400]  }
0x47: {  	v0 =	vadd.f32 v1, v0  }
0x48: {  	v1 =	vld [tilespmem:s19+$0x2600]  }
0x49: {  	v0 =	vadd.f32 v2, v0;
	_ =	sdelay $0x1  }
0x4a: {  	v0 =	vadd.f32 v3, v0;
	_ =	sdelay $0x1  }
.Ltmp0:
0x4b: {  	v0 =	vadd.f32 v1, v0;
	(pc) =	sbr.rel @p0 .LBB2_2-.Ltmp0, $4  }
0x4c: {  	s14 =	sadd.s32 $0x10, s14  }
0x4d: {  	s15 =	sadd.s32 $0x10, s15;
	[tilespmem:s14+$0x0] =	vst v0  }
0x4e: {  	s16 =	sadd.s32 $0x10, s16;
	v0 =	vld [tilespmem:s15+$0x0]  }
0x4f: {  	s18 =	sadd.s32 $0x10, s18;
	v1 =	vld [tilespmem:s16+$0x0]  }
0x50: {  	s15 =	sand.u32 $0x1F0, s17  }
0x51: {  	v2 =	vld [tilespmem:s15+$0x1600];
	_ =	sdelay $0x1  }
0x52: {  	v3 =	vld [tilespmem:s15+$0x1800]  }
0x53: {  	v0 =	vadd.f32 v0, v1  }
0x54: {  	v57 =	vld [tilespmem:s15+$0x1A00]  }
0x55: {  	v0 =	vadd.f32 v2, v0  }
0x56: {  	v58 =	vld [tilespmem:s15+$0x1C00]  }
0x57: {  	v0 =	vadd.f32 v3, v0  }
0x58: {  	v59 =	vld [tilespmem:s15+$0x1E00]  }
0x59: {  	v0 =	vadd.f32 v57, v0  }
0x5a: {  	v60 =	vld [tilespmem:s15+$0x2000]  }
0x5b: {  	v0 =	vadd.f32 v58, v0  }
0x5c: {  	v61 =	vld [tilespmem:s15+$0x2200]  }
0x5d: {  	v0 =	vadd.f32 v59, v0  }
0x5e: {  	v62 =	vld [tilespmem:s15+$0x2400]  }
0x5f: {  	v0 =	vadd.f32 v60, v0  }
0x60: {  	v63 =	vld [tilespmem:s15+$0x2600]  }
0x61: {  	v0 =	vadd.f32 v61, v0;
	_ =	sdelay $0x1  }
0x62: {  	v0 =	vadd.f32 v62, v0;
	_ =	sdelay $0x1  }
0x63: {  	v0 =	vadd.f32 v63, v0  }
0x64: {  	s14 =	sadd.s32 $0x10, s14  }
0x65: {  	[tilespmem:s14+$0x0] =	vst v0  }
0x66: {  	s13 =	sadd.s32 $0x1, s13;
	_ =	strace $0x90000052  }
0x67: {  	p0 =	sne.s32 s13, s7;
	_ =	strace $0x80000053  }
0x68: {  	[hbm4b:s6+s2] =	stream.linear.scatter [tilespmem:s11], [sflag:$0x2], $0x200, $0x200038;
	[tilespmem:$0x2C00] =	vst v63  }
.Ltmp1:
0x69: {  	_ = 	snop;
	(pc) =	sbr.rel @p0 .LBB2_1-.Ltmp1, $4  }
0x6a: {  	_ =	swait.ge [sflag:s12], $0x200  }
0x6b: {  	[sflag:s12] =	ssyncset.done $0x0  }
0x6c: {  	[sflag:s12] =	ssyncadd.s32 $0xFFFFFE00  }
0x6d: {  	_ =	strace $0x90000053  }
0x6e: {  	_ =	sfence.sel $0x180000  }
0x6f: {  	[bflag:$0x0] =	sbarrier.arrive $0xFFFF  }
0x70: {  	p0 =	sne.s32 s0, $0x0;
	_ =	strace $0x9000004F  }
0x71: {  	s0 =	sadd.s32 @!p0 $0x100000, s1;
	[bflag:$0x2] =	sbarrier.arrive $0xFFFF  }
0x72: {  	[sflag:s0] =	ssyncadd.tile.s32 @!p0 $0x1;
	_ =	shalt  }
.Lfunc_end2:
_tile_overlayer_lowered:
.L_overlay_start_2:
0x73: {  	(tag) =	ssettag $0x2  }
0x74: {  	s0 =	rddreg [dreg:$0x0];
	s2 =	stileid.u32  }
0x75: {  	s1 =	rddreg [dreg:$0x1];
	p0 =	sne.s32 s2, $0x0  }
0x76: {  	s3 =	rddreg [dreg:$0x2];
	[bflag:$0x3] =	sbarrier.arrive $0xFFFF;
	s2 =	simm.s32 @!p0 $0x1C02  }
0x77: {  	[timem:s3], [sflag:s2] =	dma.local @!p0 [hbm:s0], s1  }
0x78: {  	s0 =	simm.s32 @!p0 $0x2  }
0x79: {  	_ =	swait.ge @!p0 [sflag:s0], s1  }
0x7a: {  	s1 =	ssub.s32 @!p0 $0x0, s1;
	[sflag:s0] =	ssyncset.done @!p0 $0x0  }
0x7b: {  	[sflag:s0] =	ssyncadd.s32 @!p0 s1  }
0x7c: {  	[bflag:$0x3] =	sbarrier.arrive $0xFFFF  }
0x7d: {  	_ =	shalt  }

</sc_bundles>
